<compile_context>
chip_gen: v7x
topology: tpu7x:2x2x1
jax: 0.10.2.dev20260603
libtpu: 0.0.44.dev20260713+nightly
codegen_flags: <defaults>
</compile_context>

<pallas_src>
import jax
import jax.numpy as jnp
from jax import lax
from jax.experimental import pallas as pl
from jax.experimental.pallas import tpu as pltpu
from jax.experimental.pallas import tpu_sc as plsc

N_NODES = 10000
N_EDGES = 320000
D = 128
NPAD = 10240
NC = 2
NS = 16
NW = NC * NS
NB = 80
EPT = NB * 128
E_PAD = NW * EPT
RPT = NPAD // NS
BLK = 1280
GRID = NPAD // BLK


def _sc_mesh():
    return plsc.VectorSubcoreMesh(core_axis_name="c", subcore_axis_name="s")


_SC_PARAMS = pltpu.CompilerParams(needs_layout_passes=False)
_SC_PARAMS_BF = pltpu.CompilerParams(needs_layout_passes=False,
                                     use_tc_tiling_on_sc=False)



def _deg_body(src_hbm, dst_hbm, z_hbm, out_hbm, sidx, didx, hs, hd):
    c = lax.axis_index("c")
    s = lax.axis_index("s")
    w = s * NC + c
    pltpu.sync_copy(src_hbm.at[w], sidx)
    pltpu.sync_copy(dst_hbm.at[w], didx)
    pltpu.sync_copy(z_hbm, hs)
    pltpu.sync_copy(z_hbm, hd)
    ones = jnp.ones((16,), jnp.float32)

    def body(i, carry):
        for u in range(4):
            si = sidx[pl.ds(i * 64 + u * 16, 16)]
            di = didx[pl.ds(i * 64 + u * 16, 16)]
            plsc.addupdate_scatter(hs, [si], ones)
            plsc.addupdate_scatter(hd, [di], ones)
        return carry

    lax.fori_loop(0, EPT // 64, body, 0)
    pltpu.sync_copy(hs, out_hbm.at[0, w])
    pltpu.sync_copy(hd, out_hbm.at[1, w])


_deg = pl.kernel(
    _deg_body,
    out_type=jax.ShapeDtypeStruct((2, NW, NPAD), jnp.float32),
    mesh=_sc_mesh(),
    scratch_types=[
        pltpu.VMEM((EPT,), jnp.int32),
        pltpu.VMEM((EPT,), jnp.int32),
        pltpu.VMEM((NPAD,), jnp.float32),
        pltpu.VMEM((NPAD,), jnp.float32),
    ],
    compiler_params=_SC_PARAMS,
)



def _seg_body(tab_hbm, src_hbm, dst_hbm, z_hbm, out_hbm, sidx, didx, rows0,
              rows1, acc, gsem0, gsem1):
    c = lax.axis_index("c")
    s = lax.axis_index("s")
    w = s * NC + c
    pltpu.sync_copy(src_hbm.at[w], sidx)
    pltpu.sync_copy(dst_hbm.at[w], didx)
    base = s * RPT
    for k in range(RPT // 128):
        pltpu.sync_copy(z_hbm, acc.at[pl.ds(base + k * 128, 128)])
    plsc.subcore_barrier()

    pltpu.async_copy(tab_hbm.at[sidx.at[0]], rows0, gsem0)
    pltpu.async_copy(tab_hbm.at[sidx.at[1]], rows1, gsem1)

    def body(j, carry):
        b0 = j * 2
        b1 = b0 + 1
        pltpu.make_async_copy(tab_hbm.at[sidx.at[b0]], rows0, gsem0).wait()
        pltpu.sync_copy(rows0, acc.at[didx.at[b0]], add=True)
        pltpu.async_copy(tab_hbm.at[sidx.at[b0 + 2]], rows0, gsem0)
        pltpu.make_async_copy(tab_hbm.at[sidx.at[b1]], rows1, gsem1).wait()
        pltpu.sync_copy(rows1, acc.at[didx.at[b1]], add=True)
        pltpu.async_copy(tab_hbm.at[sidx.at[b1 + 2]], rows1, gsem1)
        return carry

    lax.fori_loop(0, NB // 2 - 1, body, 0)
    pltpu.make_async_copy(tab_hbm.at[sidx.at[NB - 2]], rows0, gsem0).wait()
    pltpu.sync_copy(rows0, acc.at[didx.at[NB - 2]], add=True)
    pltpu.make_async_copy(tab_hbm.at[sidx.at[NB - 1]], rows1, gsem1).wait()
    pltpu.sync_copy(rows1, acc.at[didx.at[NB - 1]], add=True)
    plsc.subcore_barrier()
    pltpu.sync_copy(acc.at[pl.ds(base, RPT)], out_hbm.at[c, pl.ds(base, RPT)])


_segsum = pl.kernel(
    _seg_body,
    out_type=jax.ShapeDtypeStruct((NC, NPAD, D), jnp.bfloat16),
    mesh=_sc_mesh(),
    scratch_types=[
        pltpu.VMEM((NB, 128), jnp.int32),
        pltpu.VMEM((NB, 128), jnp.int32),
        pltpu.VMEM((128, D), jnp.bfloat16),
        pltpu.VMEM((128, D), jnp.bfloat16),
        pltpu.VMEM_SHARED((NPAD, D), jnp.bfloat16),
        pltpu.SemaphoreType.DMA,
        pltpu.SemaphoreType.DMA,
    ],
    compiler_params=_SC_PARAMS_BF,
)



def _col_bcast(deg_nw_blk):
    return lax.dot_general(
        deg_nw_blk, jnp.ones((NW, 128), jnp.float32),
        (((0,), (0,)), ((), ())), preferred_element_type=jnp.float32)


def _rsq(counts):
    return lax.rsqrt(jnp.maximum(counts, 1.0))


def _l1_body(x_ref, w_ref, dg_ref, t0_ref):
    rout = _rsq(_col_bcast(dg_ref[0]))
    t0_ref[...] = jnp.dot(x_ref[...] * rout, w_ref[...],
                          preferred_element_type=jnp.float32
                          ).astype(jnp.bfloat16)


_layer1 = pl.pallas_call(
    _l1_body,
    grid=(GRID,),
    in_specs=[
        pl.BlockSpec((BLK, D), lambda i: (i, 0)),
        pl.BlockSpec((D, D), lambda i: (0, 0)),
        pl.BlockSpec((1, NW, BLK), lambda i: (0, 0, i)),
    ],
    out_specs=pl.BlockSpec((BLK, D), lambda i: (i, 0)),
    out_shape=jax.ShapeDtypeStruct((NPAD, D), jnp.bfloat16),
)


def _l2_body(p_ref, dg_ref, b0_ref, w_ref, t1_ref):
    agg = p_ref[0].astype(jnp.float32) + p_ref[1].astype(jnp.float32)
    rin = _rsq(_col_bcast(dg_ref[1]))
    rout = _rsq(_col_bcast(dg_ref[0]))
    h = jnp.maximum(agg * rin + b0_ref[...], 0.0)
    t1_ref[...] = jnp.dot(h * rout, w_ref[...],
                          preferred_element_type=jnp.float32
                          ).astype(jnp.bfloat16)


_layer2 = pl.pallas_call(
    _l2_body,
    grid=(GRID,),
    in_specs=[
        pl.BlockSpec((NC, BLK, D), lambda i: (0, i, 0)),
        pl.BlockSpec((2, NW, BLK), lambda i: (0, 0, i)),
        pl.BlockSpec((1, D), lambda i: (0, 0)),
        pl.BlockSpec((D, D), lambda i: (0, 0)),
    ],
    out_specs=pl.BlockSpec((BLK, D), lambda i: (i, 0)),
    out_shape=jax.ShapeDtypeStruct((NPAD, D), jnp.bfloat16),
)


def _fin_body(p_ref, dg_ref, b1_ref, o_ref, acc_ref, sn_ref):
    i = pl.program_id(0)

    @pl.when(i == 0)
    def _init():
        acc_ref[...] = jnp.zeros_like(acc_ref)
        sn_ref[0] = 0.0

    agg = p_ref[0].astype(jnp.float32) + p_ref[1].astype(jnp.float32)
    rin = _rsq(_col_bcast(dg_ref[0]))
    h = agg * rin + b1_ref[...]
    rowid = lax.broadcasted_iota(jnp.int32, (BLK, D), 0) + i * BLK
    h = jnp.where(rowid < N_NODES, h, 0.0)
    acc_ref[...] += jnp.sum(h, axis=0, keepdims=True)
    sn_ref[0] += jnp.sum(jnp.sqrt(jnp.sum(h * h, axis=1)))

    @pl.when(i == pl.num_programs(0) - 1)
    def _done():
        factor = jnp.sqrt(jnp.float32(D)) * (jnp.float32(N_NODES) / sn_ref[0])
        o_ref[...] = acc_ref[...] * factor


_final = pl.pallas_call(
    _fin_body,
    grid=(GRID,),
    in_specs=[
        pl.BlockSpec((NC, BLK, D), lambda i: (0, i, 0)),
        pl.BlockSpec((1, NW, BLK), lambda i: (1, 0, i)),
        pl.BlockSpec((1, D), lambda i: (0, 0)),
    ],
    out_specs=pl.BlockSpec((1, D), lambda i: (0, 0)),
    out_shape=jax.ShapeDtypeStruct((1, D), jnp.float32),
    scratch_shapes=[
        pltpu.VMEM((1, D), jnp.float32),
        pltpu.SMEM((1,), jnp.float32),
    ],
)


def kernel(x, edge_index, edge_attr, W0, b0, W1, b1):
    src = edge_index[0]
    dst = edge_index[1]
    padv = N_NODES + (jnp.arange(E_PAD - N_EDGES, dtype=jnp.int32)
                      % (NPAD - N_NODES))
    srcp = jnp.concatenate([src, padv])
    dstp = jnp.concatenate([dst, padv])
    src1 = srcp.reshape(NW, EPT)
    dst1 = dstp.reshape(NW, EPT)
    src3 = srcp.reshape(NW, NB, 128)
    dst3 = dstp.reshape(NW, NB, 128)
    z1 = jnp.zeros((NPAD,), jnp.float32)
    z2 = jnp.zeros((128, D), jnp.bfloat16)
    b0r = b0.reshape(1, D)
    b1r = b1.reshape(1, D)

    degp = _deg(src1, dst1, z1)
    t0 = _layer1(x, W0, degp)
    p0 = _segsum(t0, src3, dst3, z2)
    t1 = _layer2(p0, degp, b0r, W1)
    p1 = _segsum(t1, src3, dst3, z2)
    return _final(p1, degp, b1r)

# --- scband reference (transcript-rebuilt; emitter-appended) ---
"""Pipeline reference for scband-gnn-74088185856510 (READ-ONLY COPY).

The authoritative reference and input builder live on the scoring server;
editing this copy changes nothing except your own understanding.
"""

import jax, jax.numpy as jnp
import numpy as np

N_NODES = 10000
N_EDGES = 320000
D_FEAT = 128
D_EDGE = 16
HIDDEN = 128


def _graph_conv(x, W, b, src, dst, n_nodes, act):
    # DGL GraphConv with norm='both', allow_zero_in_degree=True
    deg_out = jnp.clip(jnp.zeros((n_nodes,), jnp.float32).at[src].add(1.0), 1.0, None)
    deg_in = jnp.clip(jnp.zeros((n_nodes,), jnp.float32).at[dst].add(1.0), 1.0, None)
    h = x * (deg_out ** -0.5)[:, None]
    h = h @ W
    agg = jax.ops.segment_sum(h[src], dst, num_segments=n_nodes)
    h = agg * (deg_in ** -0.5)[:, None] + b
    if act is not None:
        h = act(h)
    return h


def setup_inputs(seed: int = 0):
    key = jax.random.key(seed)
    ks = jax.random.split(key, 8)
    x = jax.random.normal(ks[0], (N_NODES, D_FEAT), jnp.float32)
    edge_index = jax.random.randint(ks[1], (2, N_EDGES), 0, N_NODES, jnp.int32)
    edge_attr = jax.random.normal(ks[2], (N_EDGES, D_EDGE), jnp.float32)
    s0 = 1.0 / np.sqrt(D_FEAT)
    s1 = 1.0 / np.sqrt(HIDDEN)
    W0 = jax.random.normal(ks[3], (D_FEAT, HIDDEN), jnp.float32) * s0
    b0 = jnp.zeros((HIDDEN,), jnp.float32)
    W1 = jax.random.normal(ks[4], (HIDDEN, HIDDEN), jnp.float32) * s1
    b1 = jnp.zeros((HIDDEN,), jnp.float32)
    return {"x": x, "edge_index": edge_index, "edge_attr": edge_attr,
            "W0": W0, "b0": b0, "W1": W1, "b1": b1}


def reference(x, edge_index, edge_attr, W0, b0, W1, b1):
    # graph.ndata['feature'] -> x; graph.edata['feature'] -> edge_attr (read but unused in gcn path)
    src = edge_index[0]
    dst = edge_index[1]
    h = _graph_conv(x, W0, b0, src, dst, N_NODES, jax.nn.relu)   # layer 0: relu
    h = _graph_conv(h, W1, b1, src, dst, N_NODES, None)          # last layer: no activation
    # factor = sqrt(dim) / mean(||h||) -- computed from data (detached scalar in torch)
    factor = jnp.sqrt(jnp.float32(HIDDEN)) / jnp.mean(jnp.linalg.norm(h, axis=1))
    h = h * factor
    # SumPooling over the single graph -> [1, hidden]
    return jnp.sum(h, axis=0, keepdims=True)

if __name__ == "__main__":
    import jax
    _d = setup_inputs()
    print(jax.jit(kernel)(*tuple(_d.values())))

</pallas_src>

<mosaic_0001>
#map = affine_map<(d0, d1) -> (0, 0)>
#map1 = affine_map<(d0, d1) -> (0, 0, 0)>
module attributes {stable_mosaic.version = 14 : i64} {
  func.func @_seg_body(%arg0: i32, %arg1: i32, %arg2: memref<10240x128xbf16, #tpu.memory_space<hbm>>, %arg3: memref<32x80x128xi32, #tpu.memory_space<hbm>>, %arg4: memref<32x80x128xi32, #tpu.memory_space<hbm>>, %arg5: memref<128x128xbf16, #tpu.memory_space<hbm>>, %arg6: memref<2x10240x128xbf16, #tpu.memory_space<hbm>>, %arg7: memref<80x128xi32, #tpu.memory_space<vmem>>, %arg8: memref<80x128xi32, #tpu.memory_space<vmem>>, %arg9: memref<128x128xbf16, #tpu.memory_space<vmem>>, %arg10: memref<128x128xbf16, #tpu.memory_space<vmem>>, %arg11: memref<10240x128xbf16, #tpu.memory_space<vmem_shared>>, %arg12: memref<!tpu.dma_semaphore, #tpu.memory_space<semaphore_mem>>, %arg13: memref<!tpu.dma_semaphore, #tpu.memory_space<semaphore_mem>>) attributes {dimension_semantics = [#tpu.dimension_semantics<core_parallel>, #tpu.dimension_semantics<subcore_parallel>], iteration_bounds = array<i64: 2, 16>, scalar_prefetch = 0 : i64, scratch_operands = 7 : i64, tpu.core_type = #tpu.core_type<sc_vector_subcore>, window_params = [{transform_indices = #map}, {transform_indices = #map1}, {transform_indices = #map1}, {transform_indices = #map}, {transform_indices = #map1}]} {
    %mul3A = arith.constant 2 : i32
    %mul3A_0 = arith.muli %arg1, %mul3A : i32
    %add3A = arith.addi %mul3A_0, %arg0 : i32
    "tpu.region"() ({
      %run_scoped3A_46 = tpu.sem_alloc : memref<!tpu.dma_semaphore, #tpu.memory_space<semaphore_mem>>
      %dma_start3A_47 = arith.constant 0 : i32
      %dma_start3A_48 = arith.constant 0 : i32
      %dma_start3A_49 = tpu.memref_slice %arg3[%add3A, %dma_start3A_47, %dma_start3A_48] : memref<32x80x128xi32, #tpu.memory_space<hbm>> -> memref<1x80x128xi32, #tpu.memory_space<hbm>>
      %dma_start3A_50 = tpu.memref_squeeze %dma_start3A_49 : memref<1x80x128xi32, #tpu.memory_space<hbm>> -> memref<80x128xi32, #tpu.memory_space<hbm>>
      %dma_start3A_51 = arith.constant 0 : i32
      %dma_start3A_52 = arith.constant 0 : i32
      %dma_start3A_53 = tpu.memref_slice %arg3[%add3A, %dma_start3A_51, %dma_start3A_52] : memref<32x80x128xi32, #tpu.memory_space<hbm>> -> memref<1x80x128xi32, #tpu.memory_space<hbm>>
      %dma_start3A_54 = tpu.memref_squeeze %dma_start3A_53 : memref<1x80x128xi32, #tpu.memory_space<hbm>> -> memref<80x128xi32, #tpu.memory_space<hbm>>
      tpu.enqueue_dma source(%dma_start3A_54 : memref<80x128xi32, #tpu.memory_space<hbm>>) target(%arg7 : memref<80x128xi32, #tpu.memory_space<vmem>>) target_semaphore(%run_scoped3A_46 : memref<!tpu.dma_semaphore, #tpu.memory_space<semaphore_mem>>)
      %dma_wait3A_55 = arith.constant 0 : i32
      %dma_wait3A_56 = arith.constant 0 : i32
      %dma_wait3A_57 = tpu.memref_slice %arg3[%add3A, %dma_wait3A_55, %dma_wait3A_56] : memref<32x80x128xi32, #tpu.memory_space<hbm>> -> memref<1x80x128xi32, #tpu.memory_space<hbm>>
      %dma_wait3A_58 = tpu.memref_squeeze %dma_wait3A_57 : memref<1x80x128xi32, #tpu.memory_space<hbm>> -> memref<80x128xi32, #tpu.memory_space<hbm>>
      %dma_wait3A_59 = arith.constant 0 : i32
      %dma_wait3A_60 = arith.constant 0 : i32
      %dma_wait3A_61 = tpu.memref_slice %arg3[%add3A, %dma_wait3A_59, %dma_wait3A_60] : memref<32x80x128xi32, #tpu.memory_space<hbm>> -> memref<1x80x128xi32, #tpu.memory_space<hbm>>
      %dma_wait3A_62 = tpu.memref_squeeze %dma_wait3A_61 : memref<1x80x128xi32, #tpu.memory_space<hbm>> -> memref<80x128xi32, #tpu.memory_space<hbm>>
      tpu.wait_dma2 semaphore(%run_scoped3A_46 : memref<!tpu.dma_semaphore, #tpu.memory_space<semaphore_mem>>) src(%dma_wait3A_62 : memref<80x128xi32, #tpu.memory_space<hbm>>) dst(%arg7 : memref<80x128xi32, #tpu.memory_space<vmem>>)
      tpu.yield
    }) : () -> ()
    "tpu.region"() ({
      %run_scoped3A_46 = tpu.sem_alloc : memref<!tpu.dma_semaphore, #tpu.memory_space<semaphore_mem>>
      %dma_start3A_47 = arith.constant 0 : i32
      %dma_start3A_48 = arith.constant 0 : i32
      %dma_start3A_49 = tpu.memref_slice %arg4[%add3A, %dma_start3A_47, %dma_start3A_48] : memref<32x80x128xi32, #tpu.memory_space<hbm>> -> memref<1x80x128xi32, #tpu.memory_space<hbm>>
      %dma_start3A_50 = tpu.memref_squeeze %dma_start3A_49 : memref<1x80x128xi32, #tpu.memory_space<hbm>> -> memref<80x128xi32, #tpu.memory_space<hbm>>
      %dma_start3A_51 = arith.constant 0 : i32
      %dma_start3A_52 = arith.constant 0 : i32
      %dma_start3A_53 = tpu.memref_slice %arg4[%add3A, %dma_start3A_51, %dma_start3A_52] : memref<32x80x128xi32, #tpu.memory_space<hbm>> -> memref<1x80x128xi32, #tpu.memory_space<hbm>>
      %dma_start3A_54 = tpu.memref_squeeze %dma_start3A_53 : memref<1x80x128xi32, #tpu.memory_space<hbm>> -> memref<80x128xi32, #tpu.memory_space<hbm>>
      tpu.enqueue_dma source(%dma_start3A_54 : memref<80x128xi32, #tpu.memory_space<hbm>>) target(%arg8 : memref<80x128xi32, #tpu.memory_space<vmem>>) target_semaphore(%run_scoped3A_46 : memref<!tpu.dma_semaphore, #tpu.memory_space<semaphore_mem>>)
      %dma_wait3A_55 = arith.constant 0 : i32
      %dma_wait3A_56 = arith.constant 0 : i32
      %dma_wait3A_57 = tpu.memref_slice %arg4[%add3A, %dma_wait3A_55, %dma_wait3A_56] : memref<32x80x128xi32, #tpu.memory_space<hbm>> -> memref<1x80x128xi32, #tpu.memory_space<hbm>>
      %dma_wait3A_58 = tpu.memref_squeeze %dma_wait3A_57 : memref<1x80x128xi32, #tpu.memory_space<hbm>> -> memref<80x128xi32, #tpu.memory_space<hbm>>
      %dma_wait3A_59 = arith.constant 0 : i32
      %dma_wait3A_60 = arith.constant 0 : i32
      %dma_wait3A_61 = tpu.memref_slice %arg4[%add3A, %dma_wait3A_59, %dma_wait3A_60] : memref<32x80x128xi32, #tpu.memory_space<hbm>> -> memref<1x80x128xi32, #tpu.memory_space<hbm>>
      %dma_wait3A_62 = tpu.memref_squeeze %dma_wait3A_61 : memref<1x80x128xi32, #tpu.memory_space<hbm>> -> memref<80x128xi32, #tpu.memory_space<hbm>>
      tpu.wait_dma2 semaphore(%run_scoped3A_46 : memref<!tpu.dma_semaphore, #tpu.memory_space<semaphore_mem>>) src(%dma_wait3A_62 : memref<80x128xi32, #tpu.memory_space<hbm>>) dst(%arg8 : memref<80x128xi32, #tpu.memory_space<vmem>>)
      tpu.yield
    }) : () -> ()
    %mul3A_1 = arith.constant 640 : i32
    %mul3A_2 = arith.muli %arg1, %mul3A_1 : i32
    %add3A_3 = arith.constant 0 : i32
    %add3A_4 = arith.addi %mul3A_2, %add3A_3 : i32
    "tpu.region"() ({
      %run_scoped3A_46 = tpu.sem_alloc : memref<!tpu.dma_semaphore, #tpu.memory_space<semaphore_mem>>
      %dma_start3A_47 = arith.constant 0 : i32
      %dma_start3A_48 = tpu.memref_slice %arg11[%add3A_4, %dma_start3A_47] : memref<10240x128xbf16, #tpu.memory_space<vmem_shared>> -> memref<128x128xbf16, #tpu.memory_space<vmem_shared>>
      tpu.enqueue_dma source(%arg5 : memref<128x128xbf16, #tpu.memory_space<hbm>>) target(%dma_start3A_48 : memref<128x128xbf16, #tpu.memory_space<vmem_shared>>) target_semaphore(%run_scoped3A_46 : memref<!tpu.dma_semaphore, #tpu.memory_space<semaphore_mem>>)
      %dma_wait3A_49 = arith.constant 0 : i32
      %dma_wait3A_50 = tpu.memref_slice %arg11[%add3A_4, %dma_wait3A_49] : memref<10240x128xbf16, #tpu.memory_space<vmem_shared>> -> memref<128x128xbf16, #tpu.memory_space<vmem_shared>>
      tpu.wait_dma2 semaphore(%run_scoped3A_46 : memref<!tpu.dma_semaphore, #tpu.memory_space<semaphore_mem>>) src(%arg5 : memref<128x128xbf16, #tpu.memory_space<hbm>>) dst(%dma_wait3A_50 : memref<128x128xbf16, #tpu.memory_space<vmem_shared>>)
      tpu.yield
    }) : () -> ()
    %add3A_5 = arith.constant 128 : i32
    %add3A_6 = arith.addi %mul3A_2, %add3A_5 : i32
    "tpu.region"() ({
      %run_scoped3A_46 = tpu.sem_alloc : memref<!tpu.dma_semaphore, #tpu.memory_space<semaphore_mem>>
      %dma_start3A_47 = arith.constant 0 : i32
      %dma_start3A_48 = tpu.memref_slice %arg11[%add3A_6, %dma_start3A_47] : memref<10240x128xbf16, #tpu.memory_space<vmem_shared>> -> memref<128x128xbf16, #tpu.memory_space<vmem_shared>>
      tpu.enqueue_dma source(%arg5 : memref<128x128xbf16, #tpu.memory_space<hbm>>) target(%dma_start3A_48 : memref<128x128xbf16, #tpu.memory_space<vmem_shared>>) target_semaphore(%run_scoped3A_46 : memref<!tpu.dma_semaphore, #tpu.memory_space<semaphore_mem>>)
      %dma_wait3A_49 = arith.constant 0 : i32
      %dma_wait3A_50 = tpu.memref_slice %arg11[%add3A_6, %dma_wait3A_49] : memref<10240x128xbf16, #tpu.memory_space<vmem_shared>> -> memref<128x128xbf16, #tpu.memory_space<vmem_shared>>
      tpu.wait_dma2 semaphore(%run_scoped3A_46 : memref<!tpu.dma_semaphore, #tpu.memory_space<semaphore_mem>>) src(%arg5 : memref<128x128xbf16, #tpu.memory_space<hbm>>) dst(%dma_wait3A_50 : memref<128x128xbf16, #tpu.memory_space<vmem_shared>>)
      tpu.yield
    }) : () -> ()
    %add3A_7 = arith.constant 256 : i32
    %add3A_8 = arith.addi %mul3A_2, %add3A_7 : i32
    "tpu.region"() ({
      %run_scoped3A_46 = tpu.sem_alloc : memref<!tpu.dma_semaphore, #tpu.memory_space<semaphore_mem>>
      %dma_start3A_47 = arith.constant 0 : i32
      %dma_start3A_48 = tpu.memref_slice %arg11[%add3A_8, %dma_start3A_47] : memref<10240x128xbf16, #tpu.memory_space<vmem_shared>> -> memref<128x128xbf16, #tpu.memory_space<vmem_shared>>
      tpu.enqueue_dma source(%arg5 : memref<128x128xbf16, #tpu.memory_space<hbm>>) target(%dma_start3A_48 : memref<128x128xbf16, #tpu.memory_space<vmem_shared>>) target_semaphore(%run_scoped3A_46 : memref<!tpu.dma_semaphore, #tpu.memory_space<semaphore_mem>>)
      %dma_wait3A_49 = arith.constant 0 : i32
      %dma_wait3A_50 = tpu.memref_slice %arg11[%add3A_8, %dma_wait3A_49] : memref<10240x128xbf16, #tpu.memory_space<vmem_shared>> -> memref<128x128xbf16, #tpu.memory_space<vmem_shared>>
      tpu.wait_dma2 semaphore(%run_scoped3A_46 : memref<!tpu.dma_semaphore, #tpu.memory_space<semaphore_mem>>) src(%arg5 : memref<128x128xbf16, #tpu.memory_space<hbm>>) dst(%dma_wait3A_50 : memref<128x128xbf16, #tpu.memory_space<vmem_shared>>)
      tpu.yield
    }) : () -> ()
    %add3A_9 = arith.constant 384 : i32
    %add3A_10 = arith.addi %mul3A_2, %add3A_9 : i32
    "tpu.region"() ({
      %run_scoped3A_46 = tpu.sem_alloc : memref<!tpu.dma_semaphore, #tpu.memory_space<semaphore_mem>>
      %dma_start3A_47 = arith.constant 0 : i32
      %dma_start3A_48 = tpu.memref_slice %arg11[%add3A_10, %dma_start3A_47] : memref<10240x128xbf16, #tpu.memory_space<vmem_shared>> -> memref<128x128xbf16, #tpu.memory_space<vmem_shared>>
      tpu.enqueue_dma source(%arg5 : memref<128x128xbf16, #tpu.memory_space<hbm>>) target(%dma_start3A_48 : memref<128x128xbf16, #tpu.memory_space<vmem_shared>>) target_semaphore(%run_scoped3A_46 : memref<!tpu.dma_semaphore, #tpu.memory_space<semaphore_mem>>)
      %dma_wait3A_49 = arith.constant 0 : i32
      %dma_wait3A_50 = tpu.memref_slice %arg11[%add3A_10, %dma_wait3A_49] : memref<10240x128xbf16, #tpu.memory_space<vmem_shared>> -> memref<128x128xbf16, #tpu.memory_space<vmem_shared>>
      tpu.wait_dma2 semaphore(%run_scoped3A_46 : memref<!tpu.dma_semaphore, #tpu.memory_space<semaphore_mem>>) src(%arg5 : memref<128x128xbf16, #tpu.memory_space<hbm>>) dst(%dma_wait3A_50 : memref<128x128xbf16, #tpu.memory_space<vmem_shared>>)
      tpu.yield
    }) : () -> ()
    %add3A_11 = arith.constant 512 : i32
    %add3A_12 = arith.addi %mul3A_2, %add3A_11 : i32
    "tpu.region"() ({
      %run_scoped3A_46 = tpu.sem_alloc : memref<!tpu.dma_semaphore, #tpu.memory_space<semaphore_mem>>
      %dma_start3A_47 = arith.constant 0 : i32
      %dma_start3A_48 = tpu.memref_slice %arg11[%add3A_12, %dma_start3A_47] : memref<10240x128xbf16, #tpu.memory_space<vmem_shared>> -> memref<128x128xbf16, #tpu.memory_space<vmem_shared>>
      tpu.enqueue_dma source(%arg5 : memref<128x128xbf16, #tpu.memory_space<hbm>>) target(%dma_start3A_48 : memref<128x128xbf16, #tpu.memory_space<vmem_shared>>) target_semaphore(%run_scoped3A_46 : memref<!tpu.dma_semaphore, #tpu.memory_space<semaphore_mem>>)
      %dma_wait3A_49 = arith.constant 0 : i32
      %dma_wait3A_50 = tpu.memref_slice %arg11[%add3A_12, %dma_wait3A_49] : memref<10240x128xbf16, #tpu.memory_space<vmem_shared>> -> memref<128x128xbf16, #tpu.memory_space<vmem_shared>>
      tpu.wait_dma2 semaphore(%run_scoped3A_46 : memref<!tpu.dma_semaphore, #tpu.memory_space<semaphore_mem>>) src(%arg5 : memref<128x128xbf16, #tpu.memory_space<hbm>>) dst(%dma_wait3A_50 : memref<128x128xbf16, #tpu.memory_space<vmem_shared>>)
      tpu.yield
    }) : () -> ()
    %barrier3A = arith.constant 0 : index
    tpu.barrier barrier_id(%barrier3A)
    %dma_start3A = arith.constant 0 : i32
    %dma_start3A_13 = arith.constant 0 : i32
    %dma_start3A_14 = tpu.memref_slice %arg7[%dma_start3A, %dma_start3A_13] : memref<80x128xi32, #tpu.memory_space<vmem>> -> memref<1x128xi32, #tpu.memory_space<vmem>>
    %dma_start3A_15 = tpu.memref_squeeze %dma_start3A_14 : memref<1x128xi32, #tpu.memory_space<vmem>> -> memref<128xi32, #tpu.memory_space<vmem>>
    %dma_start3A_16 = arith.constant 0 : i32
    %dma_start3A_17 = arith.constant 0 : i32
    %dma_start3A_18 = tpu.memref_slice %arg2[%dma_start3A_16, %dma_start3A_17] : memref<10240x128xbf16, #tpu.memory_space<hbm>> -> memref<10240x128xbf16, #tpu.memory_space<hbm>>
    tpu.enqueue_indirect_dma source(%dma_start3A_18 : memref<10240x128xbf16, #tpu.memory_space<hbm>>) target(%arg9 : memref<128x128xbf16, #tpu.memory_space<vmem>>) offsets(%dma_start3A_15 : memref<128xi32, #tpu.memory_space<vmem>>) semaphore(%arg12 : memref<!tpu.dma_semaphore, #tpu.memory_space<semaphore_mem>>)
    %dma_start3A_19 = arith.constant 1 : i32
    %dma_start3A_20 = arith.constant 0 : i32
    %dma_start3A_21 = tpu.memref_slice %arg7[%dma_start3A_19, %dma_start3A_20] : memref<80x128xi32, #tpu.memory_space<vmem>> -> memref<1x128xi32, #tpu.memory_space<vmem>>
    %dma_start3A_22 = tpu.memref_squeeze %dma_start3A_21 : memref<1x128xi32, #tpu.memory_space<vmem>> -> memref<128xi32, #tpu.memory_space<vmem>>
    %dma_start3A_23 = arith.constant 0 : i32
    %dma_start3A_24 = arith.constant 0 : i32
    %dma_start3A_25 = tpu.memref_slice %arg2[%dma_start3A_23, %dma_start3A_24] : memref<10240x128xbf16, #tpu.memory_space<hbm>> -> memref<10240x128xbf16, #tpu.memory_space<hbm>>
    tpu.enqueue_indirect_dma source(%dma_start3A_25 : memref<10240x128xbf16, #tpu.memory_space<hbm>>) target(%arg10 : memref<128x128xbf16, #tpu.memory_space<vmem>>) offsets(%dma_start3A_22 : memref<128xi32, #tpu.memory_space<vmem>>) semaphore(%arg13 : memref<!tpu.dma_semaphore, #tpu.memory_space<semaphore_mem>>)
    %scan3A = arith.constant 0 : i32
    %scan3A_26 = arith.constant 0 : i32
    %scan3A_27 = arith.constant 39 : i32
    %scan3A_28 = arith.addi %scan3A_26, %scan3A_27 : i32
    %scan3A_29 = arith.constant 1 : i32
    scf.for %scan3A_46 = %scan3A_26 to %scan3A_28 step %scan3A_29  : i32 {
      %mul3A_47 = arith.constant 2 : i32
      %mul3A_48 = arith.muli %scan3A_46, %mul3A_47 : i32
      %add3A_49 = arith.constant 1 : i32
      %add3A_50 = arith.addi %mul3A_48, %add3A_49 : i32
      %dma_wait3A_51 = arith.constant 0 : i32
      %dma_wait3A_52 = tpu.memref_slice %arg7[%mul3A_48, %dma_wait3A_51] : memref<80x128xi32, #tpu.memory_space<vmem>> -> memref<1x128xi32, #tpu.memory_space<vmem>>
      %dma_wait3A_53 = tpu.memref_squeeze %dma_wait3A_52 : memref<1x128xi32, #tpu.memory_space<vmem>> -> memref<128xi32, #tpu.memory_space<vmem>>
      %dma_wait3A_54 = arith.constant 0 : i32
      %dma_wait3A_55 = arith.constant 0 : i32
      %dma_wait3A_56 = tpu.memref_slice %arg2[%dma_wait3A_54, %dma_wait3A_55] : memref<10240x128xbf16, #tpu.memory_space<hbm>> -> memref<10240x128xbf16, #tpu.memory_space<hbm>>
      tpu.wait_indirect_dma semaphore(%arg12 : memref<!tpu.dma_semaphore, #tpu.memory_space<semaphore_mem>>) src(%dma_wait3A_56 : memref<10240x128xbf16, #tpu.memory_space<hbm>>) dst(%arg9 : memref<128x128xbf16, #tpu.memory_space<vmem>>)
      "tpu.region"() ({
        %run_scoped3A_79 = tpu.sem_alloc : memref<!tpu.dma_semaphore, #tpu.memory_space<semaphore_mem>>
        %dma_start3A_80 = arith.constant 0 : i32
        %dma_start3A_81 = tpu.memref_slice %arg8[%mul3A_48, %dma_start3A_80] : memref<80x128xi32, #tpu.memory_space<vmem>> -> memref<1x128xi32, #tpu.memory_space<vmem>>
        %dma_start3A_82 = tpu.memref_squeeze %dma_start3A_81 : memref<1x128xi32, #tpu.memory_space<vmem>> -> memref<128xi32, #tpu.memory_space<vmem>>
        %dma_start3A_83 = arith.constant 0 : i32
        %dma_start3A_84 = arith.constant 0 : i32
        %dma_start3A_85 = tpu.memref_slice %arg11[%dma_start3A_83, %dma_start3A_84] : memref<10240x128xbf16, #tpu.memory_space<vmem_shared>> -> memref<10240x128xbf16, #tpu.memory_space<vmem_shared>>
        tpu.enqueue_indirect_dma source(%arg9 : memref<128x128xbf16, #tpu.memory_space<vmem>>) target(%dma_start3A_85 : memref<10240x128xbf16, #tpu.memory_space<vmem_shared>>) offsets(%dma_start3A_82 : memref<128xi32, #tpu.memory_space<vmem>>) semaphore(%run_scoped3A_79 : memref<!tpu.dma_semaphore, #tpu.memory_space<semaphore_mem>>) {add = true}
        %dma_wait3A_86 = arith.constant 0 : i32
        %dma_wait3A_87 = tpu.memref_slice %arg8[%mul3A_48, %dma_wait3A_86] : memref<80x128xi32, #tpu.memory_space<vmem>> -> memref<1x128xi32, #tpu.memory_space<vmem>>
        %dma_wait3A_88 = tpu.memref_squeeze %dma_wait3A_87 : memref<1x128xi32, #tpu.memory_space<vmem>> -> memref<128xi32, #tpu.memory_space<vmem>>
        %dma_wait3A_89 = arith.constant 0 : i32
        %dma_wait3A_90 = arith.constant 0 : i32
        %dma_wait3A_91 = tpu.memref_slice %arg11[%dma_wait3A_89, %dma_wait3A_90] : memref<10240x128xbf16, #tpu.memory_space<vmem_shared>> -> memref<10240x128xbf16, #tpu.memory_space<vmem_shared>>
        tpu.wait_indirect_dma semaphore(%run_scoped3A_79 : memref<!tpu.dma_semaphore, #tpu.memory_space<semaphore_mem>>) src(%arg9 : memref<128x128xbf16, #tpu.memory_space<vmem>>) dst(%dma_wait3A_91 : memref<10240x128xbf16, #tpu.memory_space<vmem_shared>>)
        tpu.yield
      }) : () -> ()
      %add3A_57 = arith.constant 2 : i32
      %add3A_58 = arith.addi %mul3A_48, %add3A_57 : i32
      %dma_start3A_59 = arith.constant 0 : i32
      %dma_start3A_60 = tpu.memref_slice %arg7[%add3A_58, %dma_start3A_59] : memref<80x128xi32, #tpu.memory_space<vmem>> -> memref<1x128xi32, #tpu.memory_space<vmem>>
      %dma_start3A_61 = tpu.memref_squeeze %dma_start3A_60 : memref<1x128xi32, #tpu.memory_space<vmem>> -> memref<128xi32, #tpu.memory_space<vmem>>
      %dma_start3A_62 = arith.constant 0 : i32
      %dma_start3A_63 = arith.constant 0 : i32
      %dma_start3A_64 = tpu.memref_slice %arg2[%dma_start3A_62, %dma_start3A_63] : memref<10240x128xbf16, #tpu.memory_space<hbm>> -> memref<10240x128xbf16, #tpu.memory_space<hbm>>
      tpu.enqueue_indirect_dma source(%dma_start3A_64 : memref<10240x128xbf16, #tpu.memory_space<hbm>>) target(%arg9 : memref<128x128xbf16, #tpu.memory_space<vmem>>) offsets(%dma_start3A_61 : memref<128xi32, #tpu.memory_space<vmem>>) semaphore(%arg12 : memref<!tpu.dma_semaphore, #tpu.memory_space<semaphore_mem>>)
      %dma_wait3A_65 = arith.constant 0 : i32
      %dma_wait3A_66 = tpu.memref_slice %arg7[%add3A_50, %dma_wait3A_65] : memref<80x128xi32, #tpu.memory_space<vmem>> -> memref<1x128xi32, #tpu.memory_space<vmem>>
      %dma_wait3A_67 = tpu.memref_squeeze %dma_wait3A_66 : memref<1x128xi32, #tpu.memory_space<vmem>> -> memref<128xi32, #tpu.memory_space<vmem>>
      %dma_wait3A_68 = arith.constant 0 : i32
      %dma_wait3A_69 = arith.constant 0 : i32
      %dma_wait3A_70 = tpu.memref_slice %arg2[%dma_wait3A_68, %dma_wait3A_69] : memref<10240x128xbf16, #tpu.memory_space<hbm>> -> memref<10240x128xbf16, #tpu.memory_space<hbm>>
      tpu.wait_indirect_dma semaphore(%arg13 : memref<!tpu.dma_semaphore, #tpu.memory_space<semaphore_mem>>) src(%dma_wait3A_70 : memref<10240x128xbf16, #tpu.memory_space<hbm>>) dst(%arg10 : memref<128x128xbf16, #tpu.memory_space<vmem>>)
      "tpu.region"() ({
        %run_scoped3A_79 = tpu.sem_alloc : memref<!tpu.dma_semaphore, #tpu.memory_space<semaphore_mem>>
        %dma_start3A_80 = arith.constant 0 : i32
        %dma_start3A_81 = tpu.memref_slice %arg8[%add3A_50, %dma_start3A_80] : memref<80x128xi32, #tpu.memory_space<vmem>> -> memref<1x128xi32, #tpu.memory_space<vmem>>
        %dma_start3A_82 = tpu.memref_squeeze %dma_start3A_81 : memref<1x128xi32, #tpu.memory_space<vmem>> -> memref<128xi32, #tpu.memory_space<vmem>>
        %dma_start3A_83 = arith.constant 0 : i32
        %dma_start3A_84 = arith.constant 0 : i32
        %dma_start3A_85 = tpu.memref_slice %arg11[%dma_start3A_83, %dma_start3A_84] : memref<10240x128xbf16, #tpu.memory_space<vmem_shared>> -> memref<10240x128xbf16, #tpu.memory_space<vmem_shared>>
        tpu.enqueue_indirect_dma source(%arg10 : memref<128x128xbf16, #tpu.memory_space<vmem>>) target(%dma_start3A_85 : memref<10240x128xbf16, #tpu.memory_space<vmem_shared>>) offsets(%dma_start3A_82 : memref<128xi32, #tpu.memory_space<vmem>>) semaphore(%run_scoped3A_79 : memref<!tpu.dma_semaphore, #tpu.memory_space<semaphore_mem>>) {add = true}
        %dma_wait3A_86 = arith.constant 0 : i32
        %dma_wait3A_87 = tpu.memref_slice %arg8[%add3A_50, %dma_wait3A_86] : memref<80x128xi32, #tpu.memory_space<vmem>> -> memref<1x128xi32, #tpu.memory_space<vmem>>
        %dma_wait3A_88 = tpu.memref_squeeze %dma_wait3A_87 : memref<1x128xi32, #tpu.memory_space<vmem>> -> memref<128xi32, #tpu.memory_space<vmem>>
        %dma_wait3A_89 = arith.constant 0 : i32
        %dma_wait3A_90 = arith.constant 0 : i32
        %dma_wait3A_91 = tpu.memref_slice %arg11[%dma_wait3A_89, %dma_wait3A_90] : memref<10240x128xbf16, #tpu.memory_space<vmem_shared>> -> memref<10240x128xbf16, #tpu.memory_space<vmem_shared>>
        tpu.wait_indirect_dma semaphore(%run_scoped3A_79 : memref<!tpu.dma_semaphore, #tpu.memory_space<semaphore_mem>>) src(%arg10 : memref<128x128xbf16, #tpu.memory_space<vmem>>) dst(%dma_wait3A_91 : memref<10240x128xbf16, #tpu.memory_space<vmem_shared>>)
        tpu.yield
      }) : () -> ()
      %add3A_71 = arith.constant 2 : i32
      %add3A_72 = arith.addi %add3A_50, %add3A_71 : i32
      %dma_start3A_73 = arith.constant 0 : i32
      %dma_start3A_74 = tpu.memref_slice %arg7[%add3A_72, %dma_start3A_73] : memref<80x128xi32, #tpu.memory_space<vmem>> -> memref<1x128xi32, #tpu.memory_space<vmem>>
      %dma_start3A_75 = tpu.memref_squeeze %dma_start3A_74 : memref<1x128xi32, #tpu.memory_space<vmem>> -> memref<128xi32, #tpu.memory_space<vmem>>
      %dma_start3A_76 = arith.constant 0 : i32
      %dma_start3A_77 = arith.constant 0 : i32
      %dma_start3A_78 = tpu.memref_slice %arg2[%dma_start3A_76, %dma_start3A_77] : memref<10240x128xbf16, #tpu.memory_space<hbm>> -> memref<10240x128xbf16, #tpu.memory_space<hbm>>
      tpu.enqueue_indirect_dma source(%dma_start3A_78 : memref<10240x128xbf16, #tpu.memory_space<hbm>>) target(%arg10 : memref<128x128xbf16, #tpu.memory_space<vmem>>) offsets(%dma_start3A_75 : memref<128xi32, #tpu.memory_space<vmem>>) semaphore(%arg13 : memref<!tpu.dma_semaphore, #tpu.memory_space<semaphore_mem>>)
    }
    %scan3A_30 = arith.constant 39 : i32
    %dma_wait3A = arith.constant 78 : i32
    %dma_wait3A_31 = arith.constant 0 : i32
    %dma_wait3A_32 = tpu.memref_slice %arg7[%dma_wait3A, %dma_wait3A_31] : memref<80x128xi32, #tpu.memory_space<vmem>> -> memref<1x128xi32, #tpu.memory_space<vmem>>
    %dma_wait3A_33 = tpu.memref_squeeze %dma_wait3A_32 : memref<1x128xi32, #tpu.memory_space<vmem>> -> memref<128xi32, #tpu.memory_space<vmem>>
    %dma_wait3A_34 = arith.constant 0 : i32
    %dma_wait3A_35 = arith.constant 0 : i32
    %dma_wait3A_36 = tpu.memref_slice %arg2[%dma_wait3A_34, %dma_wait3A_35] : memref<10240x128xbf16, #tpu.memory_space<hbm>> -> memref<10240x128xbf16, #tpu.memory_space<hbm>>
    tpu.wait_indirect_dma semaphore(%arg12 : memref<!tpu.dma_semaphore, #tpu.memory_space<semaphore_mem>>) src(%dma_wait3A_36 : memref<10240x128xbf16, #tpu.memory_space<hbm>>) dst(%arg9 : memref<128x128xbf16, #tpu.memory_space<vmem>>)
    %run_scoped3A = arith.constant 78 : i32
    "tpu.region"() ({
      %run_scoped3A_46 = tpu.sem_alloc : memref<!tpu.dma_semaphore, #tpu.memory_space<semaphore_mem>>
      %dma_start3A_47 = arith.constant 0 : i32
      %dma_start3A_48 = tpu.memref_slice %arg8[%run_scoped3A, %dma_start3A_47] : memref<80x128xi32, #tpu.memory_space<vmem>> -> memref<1x128xi32, #tpu.memory_space<vmem>>
      %dma_start3A_49 = tpu.memref_squeeze %dma_start3A_48 : memref<1x128xi32, #tpu.memory_space<vmem>> -> memref<128xi32, #tpu.memory_space<vmem>>
      %dma_start3A_50 = arith.constant 0 : i32
      %dma_start3A_51 = arith.constant 0 : i32
      %dma_start3A_52 = tpu.memref_slice %arg11[%dma_start3A_50, %dma_start3A_51] : memref<10240x128xbf16, #tpu.memory_space<vmem_shared>> -> memref<10240x128xbf16, #tpu.memory_space<vmem_shared>>
      tpu.enqueue_indirect_dma source(%arg9 : memref<128x128xbf16, #tpu.memory_space<vmem>>) target(%dma_start3A_52 : memref<10240x128xbf16, #tpu.memory_space<vmem_shared>>) offsets(%dma_start3A_49 : memref<128xi32, #tpu.memory_space<vmem>>) semaphore(%run_scoped3A_46 : memref<!tpu.dma_semaphore, #tpu.memory_space<semaphore_mem>>) {add = true}
      %dma_wait3A_53 = arith.constant 0 : i32
      %dma_wait3A_54 = tpu.memref_slice %arg8[%run_scoped3A, %dma_wait3A_53] : memref<80x128xi32, #tpu.memory_space<vmem>> -> memref<1x128xi32, #tpu.memory_space<vmem>>
      %dma_wait3A_55 = tpu.memref_squeeze %dma_wait3A_54 : memref<1x128xi32, #tpu.memory_space<vmem>> -> memref<128xi32, #tpu.memory_space<vmem>>
      %dma_wait3A_56 = arith.constant 0 : i32
      %dma_wait3A_57 = arith.constant 0 : i32
      %dma_wait3A_58 = tpu.memref_slice %arg11[%dma_wait3A_56, %dma_wait3A_57] : memref<10240x128xbf16, #tpu.memory_space<vmem_shared>> -> memref<10240x128xbf16, #tpu.memory_space<vmem_shared>>
      tpu.wait_indirect_dma semaphore(%run_scoped3A_46 : memref<!tpu.dma_semaphore, #tpu.memory_space<semaphore_mem>>) src(%arg9 : memref<128x128xbf16, #tpu.memory_space<vmem>>) dst(%dma_wait3A_58 : memref<10240x128xbf16, #tpu.memory_space<vmem_shared>>)
      tpu.yield
    }) : () -> ()
    %dma_wait3A_37 = arith.constant 79 : i32
    %dma_wait3A_38 = arith.constant 0 : i32
    %dma_wait3A_39 = tpu.memref_slice %arg7[%dma_wait3A_37, %dma_wait3A_38] : memref<80x128xi32, #tpu.memory_space<vmem>> -> memref<1x128xi32, #tpu.memory_space<vmem>>
    %dma_wait3A_40 = tpu.memref_squeeze %dma_wait3A_39 : memref<1x128xi32, #tpu.memory_space<vmem>> -> memref<128xi32, #tpu.memory_space<vmem>>
    %dma_wait3A_41 = arith.constant 0 : i32
    %dma_wait3A_42 = arith.constant 0 : i32
    %dma_wait3A_43 = tpu.memref_slice %arg2[%dma_wait3A_41, %dma_wait3A_42] : memref<10240x128xbf16, #tpu.memory_space<hbm>> -> memref<10240x128xbf16, #tpu.memory_space<hbm>>
    tpu.wait_indirect_dma semaphore(%arg13 : memref<!tpu.dma_semaphore, #tpu.memory_space<semaphore_mem>>) src(%dma_wait3A_43 : memref<10240x128xbf16, #tpu.memory_space<hbm>>) dst(%arg10 : memref<128x128xbf16, #tpu.memory_space<vmem>>)
    %run_scoped3A_44 = arith.constant 79 : i32
    "tpu.region"() ({
      %run_scoped3A_46 = tpu.sem_alloc : memref<!tpu.dma_semaphore, #tpu.memory_space<semaphore_mem>>
      %dma_start3A_47 = arith.constant 0 : i32
      %dma_start3A_48 = tpu.memref_slice %arg8[%run_scoped3A_44, %dma_start3A_47] : memref<80x128xi32, #tpu.memory_space<vmem>> -> memref<1x128xi32, #tpu.memory_space<vmem>>
      %dma_start3A_49 = tpu.memref_squeeze %dma_start3A_48 : memref<1x128xi32, #tpu.memory_space<vmem>> -> memref<128xi32, #tpu.memory_space<vmem>>
      %dma_start3A_50 = arith.constant 0 : i32
      %dma_start3A_51 = arith.constant 0 : i32
      %dma_start3A_52 = tpu.memref_slice %arg11[%dma_start3A_50, %dma_start3A_51] : memref<10240x128xbf16, #tpu.memory_space<vmem_shared>> -> memref<10240x128xbf16, #tpu.memory_space<vmem_shared>>
      tpu.enqueue_indirect_dma source(%arg10 : memref<128x128xbf16, #tpu.memory_space<vmem>>) target(%dma_start3A_52 : memref<10240x128xbf16, #tpu.memory_space<vmem_shared>>) offsets(%dma_start3A_49 : memref<128xi32, #tpu.memory_space<vmem>>) semaphore(%run_scoped3A_46 : memref<!tpu.dma_semaphore, #tpu.memory_space<semaphore_mem>>) {add = true}
      %dma_wait3A_53 = arith.constant 0 : i32
      %dma_wait3A_54 = tpu.memref_slice %arg8[%run_scoped3A_44, %dma_wait3A_53] : memref<80x128xi32, #tpu.memory_space<vmem>> -> memref<1x128xi32, #tpu.memory_space<vmem>>
      %dma_wait3A_55 = tpu.memref_squeeze %dma_wait3A_54 : memref<1x128xi32, #tpu.memory_space<vmem>> -> memref<128xi32, #tpu.memory_space<vmem>>
      %dma_wait3A_56 = arith.constant 0 : i32
      %dma_wait3A_57 = arith.constant 0 : i32
      %dma_wait3A_58 = tpu.memref_slice %arg11[%dma_wait3A_56, %dma_wait3A_57] : memref<10240x128xbf16, #tpu.memory_space<vmem_shared>> -> memref<10240x128xbf16, #tpu.memory_space<vmem_shared>>
      tpu.wait_indirect_dma semaphore(%run_scoped3A_46 : memref<!tpu.dma_semaphore, #tpu.memory_space<semaphore_mem>>) src(%arg10 : memref<128x128xbf16, #tpu.memory_space<vmem>>) dst(%dma_wait3A_58 : memref<10240x128xbf16, #tpu.memory_space<vmem_shared>>)
      tpu.yield
    }) : () -> ()
    %barrier3A_45 = arith.constant 0 : index
    tpu.barrier barrier_id(%barrier3A_45)
    "tpu.region"() ({
      %run_scoped3A_46 = tpu.sem_alloc : memref<!tpu.dma_semaphore, #tpu.memory_space<semaphore_mem>>
      %dma_start3A_47 = arith.constant 0 : i32
      %dma_start3A_48 = tpu.memref_slice %arg6[%arg0, %mul3A_2, %dma_start3A_47] : memref<2x10240x128xbf16, #tpu.memory_space<hbm>> -> memref<1x640x128xbf16, #tpu.memory_space<hbm>>
      %dma_start3A_49 = tpu.memref_squeeze %dma_start3A_48 : memref<1x640x128xbf16, #tpu.memory_space<hbm>> -> memref<640x128xbf16, #tpu.memory_space<hbm>>
      %dma_start3A_50 = arith.constant 0 : i32
      %dma_start3A_51 = tpu.memref_slice %arg11[%mul3A_2, %dma_start3A_50] : memref<10240x128xbf16, #tpu.memory_space<vmem_shared>> -> memref<640x128xbf16, #tpu.memory_space<vmem_shared>>
      tpu.enqueue_dma source(%dma_start3A_51 : memref<640x128xbf16, #tpu.memory_space<vmem_shared>>) target(%dma_start3A_49 : memref<640x128xbf16, #tpu.memory_space<hbm>>) target_semaphore(%run_scoped3A_46 : memref<!tpu.dma_semaphore, #tpu.memory_space<semaphore_mem>>)
      %dma_wait3A_52 = arith.constant 0 : i32
      %dma_wait3A_53 = tpu.memref_slice %arg6[%arg0, %mul3A_2, %dma_wait3A_52] : memref<2x10240x128xbf16, #tpu.memory_space<hbm>> -> memref<1x640x128xbf16, #tpu.memory_space<hbm>>
      %dma_wait3A_54 = tpu.memref_squeeze %dma_wait3A_53 : memref<1x640x128xbf16, #tpu.memory_space<hbm>> -> memref<640x128xbf16, #tpu.memory_space<hbm>>
      %dma_wait3A_55 = arith.constant 0 : i32
      %dma_wait3A_56 = tpu.memref_slice %arg11[%mul3A_2, %dma_wait3A_55] : memref<10240x128xbf16, #tpu.memory_space<vmem_shared>> -> memref<640x128xbf16, #tpu.memory_space<vmem_shared>>
      tpu.wait_dma2 semaphore(%run_scoped3A_46 : memref<!tpu.dma_semaphore, #tpu.memory_space<semaphore_mem>>) src(%dma_wait3A_56 : memref<640x128xbf16, #tpu.memory_space<vmem_shared>>) dst(%dma_wait3A_54 : memref<640x128xbf16, #tpu.memory_space<hbm>>)
      tpu.yield
    }) : () -> ()
    return
  }
}

#map = affine_map<(d0, d1) -> (0, 0)>
#map1 = affine_map<(d0, d1) -> (0, 0, 0)>
module attributes {stable_mosaic.version = 14 : i64} {
  func.func @_seg_body(%arg0: i32, %arg1: i32, %arg2: memref<10240x128xbf16, #tpu.memory_space<hbm>>, %arg3: memref<32x80x128xi32, #tpu.memory_space<hbm>>, %arg4: memref<32x80x128xi32, #tpu.memory_space<hbm>>, %arg5: memref<128x128xbf16, #tpu.memory_space<hbm>>, %arg6: memref<2x10240x128xbf16, #tpu.memory_space<hbm>>, %arg7: memref<80x128xi32, #tpu.memory_space<vmem>>, %arg8: memref<80x128xi32, #tpu.memory_space<vmem>>, %arg9: memref<128x128xbf16, #tpu.memory_space<vmem>>, %arg10: memref<128x128xbf16, #tpu.memory_space<vmem>>, %arg11: memref<10240x128xbf16, #tpu.memory_space<vmem_shared>>, %arg12: memref<!tpu.dma_semaphore, #tpu.memory_space<semaphore_mem>>, %arg13: memref<!tpu.dma_semaphore, #tpu.memory_space<semaphore_mem>>) attributes {dimension_semantics = [#tpu.dimension_semantics<core_parallel>, #tpu.dimension_semantics<subcore_parallel>], iteration_bounds = array<i64: 2, 16>, scalar_prefetch = 0 : i64, scratch_operands = 7 : i64, tpu.core_type = #tpu.core_type<sc_vector_subcore>, window_params = [{transform_indices = #map}, {transform_indices = #map1}, {transform_indices = #map1}, {transform_indices = #map}, {transform_indices = #map1}]} {
    %mul3A = arith.constant 2 : i32
    %mul3A_0 = arith.muli %arg1, %mul3A : i32
    %add3A = arith.addi %mul3A_0, %arg0 : i32
    "tpu.region"() ({
      %run_scoped3A_46 = tpu.sem_alloc : memref<!tpu.dma_semaphore, #tpu.memory_space<semaphore_mem>>
      %dma_start3A_47 = arith.constant 0 : i32
      %dma_start3A_48 = arith.constant 0 : i32
      %dma_start3A_49 = tpu.memref_slice %arg3[%add3A, %dma_start3A_47, %dma_start3A_48] : memref<32x80x128xi32, #tpu.memory_space<hbm>> -> memref<1x80x128xi32, #tpu.memory_space<hbm>>
      %dma_start3A_50 = tpu.memref_squeeze %dma_start3A_49 : memref<1x80x128xi32, #tpu.memory_space<hbm>> -> memref<80x128xi32, #tpu.memory_space<hbm>>
      %dma_start3A_51 = arith.constant 0 : i32
      %dma_start3A_52 = arith.constant 0 : i32
      %dma_start3A_53 = tpu.memref_slice %arg3[%add3A, %dma_start3A_51, %dma_start3A_52] : memref<32x80x128xi32, #tpu.memory_space<hbm>> -> memref<1x80x128xi32, #tpu.memory_space<hbm>>
      %dma_start3A_54 = tpu.memref_squeeze %dma_start3A_53 : memref<1x80x128xi32, #tpu.memory_space<hbm>> -> memref<80x128xi32, #tpu.memory_space<hbm>>
      tpu.enqueue_dma source(%dma_start3A_54 : memref<80x128xi32, #tpu.memory_space<hbm>>) target(%arg7 : memref<80x128xi32, #tpu.memory_space<vmem>>) target_semaphore(%run_scoped3A_46 : memref<!tpu.dma_semaphore, #tpu.memory_space<semaphore_mem>>)
      %dma_wait3A_55 = arith.constant 0 : i32
      %dma_wait3A_56 = arith.constant 0 : i32
      %dma_wait3A_57 = tpu.memref_slice %arg3[%add3A, %dma_wait3A_55, %dma_wait3A_56] : memref<32x80x128xi32, #tpu.memory_space<hbm>> -> memref<1x80x128xi32, #tpu.memory_space<hbm>>
      %dma_wait3A_58 = tpu.memref_squeeze %dma_wait3A_57 : memref<1x80x128xi32, #tpu.memory_space<hbm>> -> memref<80x128xi32, #tpu.memory_space<hbm>>
      %dma_wait3A_59 = arith.constant 0 : i32
      %dma_wait3A_60 = arith.constant 0 : i32
      %dma_wait3A_61 = tpu.memref_slice %arg3[%add3A, %dma_wait3A_59, %dma_wait3A_60] : memref<32x80x128xi32, #tpu.memory_space<hbm>> -> memref<1x80x128xi32, #tpu.memory_space<hbm>>
      %dma_wait3A_62 = tpu.memref_squeeze %dma_wait3A_61 : memref<1x80x128xi32, #tpu.memory_space<hbm>> -> memref<80x128xi32, #tpu.memory_space<hbm>>
      tpu.wait_dma2 semaphore(%run_scoped3A_46 : memref<!tpu.dma_semaphore, #tpu.memory_space<semaphore_mem>>) src(%dma_wait3A_62 : memref<80x128xi32, #tpu.memory_space<hbm>>) dst(%arg7 : memref<80x128xi32, #tpu.memory_space<vmem>>)
      tpu.yield
    }) : () -> ()
    "tpu.region"() ({
      %run_scoped3A_46 = tpu.sem_alloc : memref<!tpu.dma_semaphore, #tpu.memory_space<semaphore_mem>>
      %dma_start3A_47 = arith.constant 0 : i32
      %dma_start3A_48 = arith.constant 0 : i32
      %dma_start3A_49 = tpu.memref_slice %arg4[%add3A, %dma_start3A_47, %dma_start3A_48] : memref<32x80x128xi32, #tpu.memory_space<hbm>> -> memref<1x80x128xi32, #tpu.memory_space<hbm>>
      %dma_start3A_50 = tpu.memref_squeeze %dma_start3A_49 : memref<1x80x128xi32, #tpu.memory_space<hbm>> -> memref<80x128xi32, #tpu.memory_space<hbm>>
      %dma_start3A_51 = arith.constant 0 : i32
      %dma_start3A_52 = arith.constant 0 : i32
      %dma_start3A_53 = tpu.memref_slice %arg4[%add3A, %dma_start3A_51, %dma_start3A_52] : memref<32x80x128xi32, #tpu.memory_space<hbm>> -> memref<1x80x128xi32, #tpu.memory_space<hbm>>
      %dma_start3A_54 = tpu.memref_squeeze %dma_start3A_53 : memref<1x80x128xi32, #tpu.memory_space<hbm>> -> memref<80x128xi32, #tpu.memory_space<hbm>>
      tpu.enqueue_dma source(%dma_start3A_54 : memref<80x128xi32, #tpu.memory_space<hbm>>) target(%arg8 : memref<80x128xi32, #tpu.memory_space<vmem>>) target_semaphore(%run_scoped3A_46 : memref<!tpu.dma_semaphore, #tpu.memory_space<semaphore_mem>>)
      %dma_wait3A_55 = arith.constant 0 : i32
      %dma_wait3A_56 = arith.constant 0 : i32
      %dma_wait3A_57 = tpu.memref_slice %arg4[%add3A, %dma_wait3A_55, %dma_wait3A_56] : memref<32x80x128xi32, #tpu.memory_space<hbm>> -> memref<1x80x128xi32, #tpu.memory_space<hbm>>
      %dma_wait3A_58 = tpu.memref_squeeze %dma_wait3A_57 : memref<1x80x128xi32, #tpu.memory_space<hbm>> -> memref<80x128xi32, #tpu.memory_space<hbm>>
      %dma_wait3A_59 = arith.constant 0 : i32
      %dma_wait3A_60 = arith.constant 0 : i32
      %dma_wait3A_61 = tpu.memref_slice %arg4[%add3A, %dma_wait3A_59, %dma_wait3A_60] : memref<32x80x128xi32, #tpu.memory_space<hbm>> -> memref<1x80x128xi32, #tpu.memory_space<hbm>>
      %dma_wait3A_62 = tpu.memref_squeeze %dma_wait3A_61 : memref<1x80x128xi32, #tpu.memory_space<hbm>> -> memref<80x128xi32, #tpu.memory_space<hbm>>
      tpu.wait_dma2 semaphore(%run_scoped3A_46 : memref<!tpu.dma_semaphore, #tpu.memory_space<semaphore_mem>>) src(%dma_wait3A_62 : memref<80x128xi32, #tpu.memory_space<hbm>>) dst(%arg8 : memref<80x128xi32, #tpu.memory_space<vmem>>)
      tpu.yield
    }) : () -> ()
    %mul3A_1 = arith.constant 640 : i32
    %mul3A_2 = arith.muli %arg1, %mul3A_1 : i32
    %add3A_3 = arith.constant 0 : i32
    %add3A_4 = arith.addi %mul3A_2, %add3A_3 : i32
    "tpu.region"() ({
      %run_scoped3A_46 = tpu.sem_alloc : memref<!tpu.dma_semaphore, #tpu.memory_space<semaphore_mem>>
      %dma_start3A_47 = arith.constant 0 : i32
      %dma_start3A_48 = tpu.memref_slice %arg11[%add3A_4, %dma_start3A_47] : memref<10240x128xbf16, #tpu.memory_space<vmem_shared>> -> memref<128x128xbf16, #tpu.memory_space<vmem_shared>>
      tpu.enqueue_dma source(%arg5 : memref<128x128xbf16, #tpu.memory_space<hbm>>) target(%dma_start3A_48 : memref<128x128xbf16, #tpu.memory_space<vmem_shared>>) target_semaphore(%run_scoped3A_46 : memref<!tpu.dma_semaphore, #tpu.memory_space<semaphore_mem>>)
      %dma_wait3A_49 = arith.constant 0 : i32
      %dma_wait3A_50 = tpu.memref_slice %arg11[%add3A_4, %dma_wait3A_49] : memref<10240x128xbf16, #tpu.memory_space<vmem_shared>> -> memref<128x128xbf16, #tpu.memory_space<vmem_shared>>
      tpu.wait_dma2 semaphore(%run_scoped3A_46 : memref<!tpu.dma_semaphore, #tpu.memory_space<semaphore_mem>>) src(%arg5 : memref<128x128xbf16, #tpu.memory_space<hbm>>) dst(%dma_wait3A_50 : memref<128x128xbf16, #tpu.memory_space<vmem_shared>>)
      tpu.yield
    }) : () -> ()
    %add3A_5 = arith.constant 128 : i32
    %add3A_6 = arith.addi %mul3A_2, %add3A_5 : i32
    "tpu.region"() ({
      %run_scoped3A_46 = tpu.sem_alloc : memref<!tpu.dma_semaphore, #tpu.memory_space<semaphore_mem>>
      %dma_start3A_47 = arith.constant 0 : i32
      %dma_start3A_48 = tpu.memref_slice %arg11[%add3A_6, %dma_start3A_47] : memref<10240x128xbf16, #tpu.memory_space<vmem_shared>> -> memref<128x128xbf16, #tpu.memory_space<vmem_shared>>
      tpu.enqueue_dma source(%arg5 : memref<128x128xbf16, #tpu.memory_space<hbm>>) target(%dma_start3A_48 : memref<128x128xbf16, #tpu.memory_space<vmem_shared>>) target_semaphore(%run_scoped3A_46 : memref<!tpu.dma_semaphore, #tpu.memory_space<semaphore_mem>>)
      %dma_wait3A_49 = arith.constant 0 : i32
      %dma_wait3A_50 = tpu.memref_slice %arg11[%add3A_6, %dma_wait3A_49] : memref<10240x128xbf16, #tpu.memory_space<vmem_shared>> -> memref<128x128xbf16, #tpu.memory_space<vmem_shared>>
      tpu.wait_dma2 semaphore(%run_scoped3A_46 : memref<!tpu.dma_semaphore, #tpu.memory_space<semaphore_mem>>) src(%arg5 : memref<128x128xbf16, #tpu.memory_space<hbm>>) dst(%dma_wait3A_50 : memref<128x128xbf16, #tpu.memory_space<vmem_shared>>)
      tpu.yield
    }) : () -> ()
    %add3A_7 = arith.constant 256 : i32
    %add3A_8 = arith.addi %mul3A_2, %add3A_7 : i32
    "tpu.region"() ({
      %run_scoped3A_46 = tpu.sem_alloc : memref<!tpu.dma_semaphore, #tpu.memory_space<semaphore_mem>>
      %dma_start3A_47 = arith.constant 0 : i32
      %dma_start3A_48 = tpu.memref_slice %arg11[%add3A_8, %dma_start3A_47] : memref<10240x128xbf16, #tpu.memory_space<vmem_shared>> -> memref<128x128xbf16, #tpu.memory_space<vmem_shared>>
      tpu.enqueue_dma source(%arg5 : memref<128x128xbf16, #tpu.memory_space<hbm>>) target(%dma_start3A_48 : memref<128x128xbf16, #tpu.memory_space<vmem_shared>>) target_semaphore(%run_scoped3A_46 : memref<!tpu.dma_semaphore, #tpu.memory_space<semaphore_mem>>)
      %dma_wait3A_49 = arith.constant 0 : i32
      %dma_wait3A_50 = tpu.memref_slice %arg11[%add3A_8, %dma_wait3A_49] : memref<10240x128xbf16, #tpu.memory_space<vmem_shared>> -> memref<128x128xbf16, #tpu.memory_space<vmem_shared>>
      tpu.wait_dma2 semaphore(%run_scoped3A_46 : memref<!tpu.dma_semaphore, #tpu.memory_space<semaphore_mem>>) src(%arg5 : memref<128x128xbf16, #tpu.memory_space<hbm>>) dst(%dma_wait3A_50 : memref<128x128xbf16, #tpu.memory_space<vmem_shared>>)
      tpu.yield
    }) : () -> ()
    %add3A_9 = arith.constant 384 : i32
    %add3A_10 = arith.addi %mul3A_2, %add3A_9 : i32
    "tpu.region"() ({
      %run_scoped3A_46 = tpu.sem_alloc : memref<!tpu.dma_semaphore, #tpu.memory_space<semaphore_mem>>
      %dma_start3A_47 = arith.constant 0 : i32
      %dma_start3A_48 = tpu.memref_slice %arg11[%add3A_10, %dma_start3A_47] : memref<10240x128xbf16, #tpu.memory_space<vmem_shared>> -> memref<128x128xbf16, #tpu.memory_space<vmem_shared>>
      tpu.enqueue_dma source(%arg5 : memref<128x128xbf16, #tpu.memory_space<hbm>>) target(%dma_start3A_48 : memref<128x128xbf16, #tpu.memory_space<vmem_shared>>) target_semaphore(%run_scoped3A_46 : memref<!tpu.dma_semaphore, #tpu.memory_space<semaphore_mem>>)
      %dma_wait3A_49 = arith.constant 0 : i32
      %dma_wait3A_50 = tpu.memref_slice %arg11[%add3A_10, %dma_wait3A_49] : memref<10240x128xbf16, #tpu.memory_space<vmem_shared>> -> memref<128x128xbf16, #tpu.memory_space<vmem_shared>>
      tpu.wait_dma2 semaphore(%run_scoped3A_46 : memref<!tpu.dma_semaphore, #tpu.memory_space<semaphore_mem>>) src(%arg5 : memref<128x128xbf16, #tpu.memory_space<hbm>>) dst(%dma_wait3A_50 : memref<128x128xbf16, #tpu.memory_space<vmem_shared>>)
      tpu.yield
    }) : () -> ()
    %add3A_11 = arith.constant 512 : i32
    %add3A_12 = arith.addi %mul3A_2, %add3A_11 : i32
    "tpu.region"() ({
      %run_scoped3A_46 = tpu.sem_alloc : memref<!tpu.dma_semaphore, #tpu.memory_space<semaphore_mem>>
      %dma_start3A_47 = arith.constant 0 : i32
      %dma_start3A_48 = tpu.memref_slice %arg11[%add3A_12, %dma_start3A_47] : memref<10240x128xbf16, #tpu.memory_space<vmem_shared>> -> memref<128x128xbf16, #tpu.memory_space<vmem_shared>>
      tpu.enqueue_dma source(%arg5 : memref<128x128xbf16, #tpu.memory_space<hbm>>) target(%dma_start3A_48 : memref<128x128xbf16, #tpu.memory_space<vmem_shared>>) target_semaphore(%run_scoped3A_46 : memref<!tpu.dma_semaphore, #tpu.memory_space<semaphore_mem>>)
      %dma_wait3A_49 = arith.constant 0 : i32
      %dma_wait3A_50 = tpu.memref_slice %arg11[%add3A_12, %dma_wait3A_49] : memref<10240x128xbf16, #tpu.memory_space<vmem_shared>> -> memref<128x128xbf16, #tpu.memory_space<vmem_shared>>
      tpu.wait_dma2 semaphore(%run_scoped3A_46 : memref<!tpu.dma_semaphore, #tpu.memory_space<semaphore_mem>>) src(%arg5 : memref<128x128xbf16, #tpu.memory_space<hbm>>) dst(%dma_wait3A_50 : memref<128x128xbf16, #tpu.memory_space<vmem_shared>>)
      tpu.yield
    }) : () -> ()
    %barrier3A = arith.constant 0 : index
    tpu.barrier barrier_id(%barrier3A)
    %dma_start3A = arith.constant 0 : i32
    %dma_start3A_13 = arith.constant 0 : i32
    %dma_start3A_14 = tpu.memref_slice %arg7[%dma_start3A, %dma_start3A_13] : memref<80x128xi32, #tpu.memory_space<vmem>> -> memref<1x128xi32, #tpu.memory_space<vmem>>
    %dma_start3A_15 = tpu.memref_squeeze %dma_start3A_14 : memref<1x128xi32, #tpu.memory_space<vmem>> -> memref<128xi32, #tpu.memory_space<vmem>>
    %dma_start3A_16 = arith.constant 0 : i32
    %dma_start3A_17 = arith.constant 0 : i32
    %dma_start3A_18 = tpu.memref_slice %arg2[%dma_start3A_16, %dma_start3A_17] : memref<10240x128xbf16, #tpu.memory_space<hbm>> -> memref<10240x128xbf16, #tpu.memory_space<hbm>>
    tpu.enqueue_indirect_dma source(%dma_start3A_18 : memref<10240x128xbf16, #tpu.memory_space<hbm>>) target(%arg9 : memref<128x128xbf16, #tpu.memory_space<vmem>>) offsets(%dma_start3A_15 : memref<128xi32, #tpu.memory_space<vmem>>) semaphore(%arg12 : memref<!tpu.dma_semaphore, #tpu.memory_space<semaphore_mem>>)
    %dma_start3A_19 = arith.constant 1 : i32
    %dma_start3A_20 = arith.constant 0 : i32
    %dma_start3A_21 = tpu.memref_slice %arg7[%dma_start3A_19, %dma_start3A_20] : memref<80x128xi32, #tpu.memory_space<vmem>> -> memref<1x128xi32, #tpu.memory_space<vmem>>
    %dma_start3A_22 = tpu.memref_squeeze %dma_start3A_21 : memref<1x128xi32, #tpu.memory_space<vmem>> -> memref<128xi32, #tpu.memory_space<vmem>>
    %dma_start3A_23 = arith.constant 0 : i32
    %dma_start3A_24 = arith.constant 0 : i32
    %dma_start3A_25 = tpu.memref_slice %arg2[%dma_start3A_23, %dma_start3A_24] : memref<10240x128xbf16, #tpu.memory_space<hbm>> -> memref<10240x128xbf16, #tpu.memory_space<hbm>>
    tpu.enqueue_indirect_dma source(%dma_start3A_25 : memref<10240x128xbf16, #tpu.memory_space<hbm>>) target(%arg10 : memref<128x128xbf16, #tpu.memory_space<vmem>>) offsets(%dma_start3A_22 : memref<128xi32, #tpu.memory_space<vmem>>) semaphore(%arg13 : memref<!tpu.dma_semaphore, #tpu.memory_space<semaphore_mem>>)
    %scan3A = arith.constant 0 : i32
    %scan3A_26 = arith.constant 0 : i32
    %scan3A_27 = arith.constant 39 : i32
    %scan3A_28 = arith.addi %scan3A_26, %scan3A_27 : i32
    %scan3A_29 = arith.constant 1 : i32
    scf.for %scan3A_46 = %scan3A_26 to %scan3A_28 step %scan3A_29  : i32 {
      %mul3A_47 = arith.constant 2 : i32
      %mul3A_48 = arith.muli %scan3A_46, %mul3A_47 : i32
      %add3A_49 = arith.constant 1 : i32
      %add3A_50 = arith.addi %mul3A_48, %add3A_49 : i32
      %dma_wait3A_51 = arith.constant 0 : i32
      %dma_wait3A_52 = tpu.memref_slice %arg7[%mul3A_48, %dma_wait3A_51] : memref<80x128xi32, #tpu.memory_space<vmem>> -> memref<1x128xi32, #tpu.memory_space<vmem>>
      %dma_wait3A_53 = tpu.memref_squeeze %dma_wait3A_52 : memref<1x128xi32, #tpu.memory_space<vmem>> -> memref<128xi32, #tpu.memory_space<vmem>>
      %dma_wait3A_54 = arith.constant 0 : i32
      %dma_wait3A_55 = arith.constant 0 : i32
      %dma_wait3A_56 = tpu.memref_slice %arg2[%dma_wait3A_54, %dma_wait3A_55] : memref<10240x128xbf16, #tpu.memory_space<hbm>> -> memref<10240x128xbf16, #tpu.memory_space<hbm>>
      tpu.wait_indirect_dma semaphore(%arg12 : memref<!tpu.dma_semaphore, #tpu.memory_space<semaphore_mem>>) src(%dma_wait3A_56 : memref<10240x128xbf16, #tpu.memory_space<hbm>>) dst(%arg9 : memref<128x128xbf16, #tpu.memory_space<vmem>>)
      "tpu.region"() ({
        %run_scoped3A_79 = tpu.sem_alloc : memref<!tpu.dma_semaphore, #tpu.memory_space<semaphore_mem>>
        %dma_start3A_80 = arith.constant 0 : i32
        %dma_start3A_81 = tpu.memref_slice %arg8[%mul3A_48, %dma_start3A_80] : memref<80x128xi32, #tpu.memory_space<vmem>> -> memref<1x128xi32, #tpu.memory_space<vmem>>
        %dma_start3A_82 = tpu.memref_squeeze %dma_start3A_81 : memref<1x128xi32, #tpu.memory_space<vmem>> -> memref<128xi32, #tpu.memory_space<vmem>>
        %dma_start3A_83 = arith.constant 0 : i32
        %dma_start3A_84 = arith.constant 0 : i32
        %dma_start3A_85 = tpu.memref_slice %arg11[%dma_start3A_83, %dma_start3A_84] : memref<10240x128xbf16, #tpu.memory_space<vmem_shared>> -> memref<10240x128xbf16, #tpu.memory_space<vmem_shared>>
        tpu.enqueue_indirect_dma source(%arg9 : memref<128x128xbf16, #tpu.memory_space<vmem>>) target(%dma_start3A_85 : memref<10240x128xbf16, #tpu.memory_space<vmem_shared>>) offsets(%dma_start3A_82 : memref<128xi32, #tpu.memory_space<vmem>>) semaphore(%run_scoped3A_79 : memref<!tpu.dma_semaphore, #tpu.memory_space<semaphore_mem>>) {add = true}
        %dma_wait3A_86 = arith.constant 0 : i32
        %dma_wait3A_87 = tpu.memref_slice %arg8[%mul3A_48, %dma_wait3A_86] : memref<80x128xi32, #tpu.memory_space<vmem>> -> memref<1x128xi32, #tpu.memory_space<vmem>>
        %dma_wait3A_88 = tpu.memref_squeeze %dma_wait3A_87 : memref<1x128xi32, #tpu.memory_space<vmem>> -> memref<128xi32, #tpu.memory_space<vmem>>
        %dma_wait3A_89 = arith.constant 0 : i32
        %dma_wait3A_90 = arith.constant 0 : i32
        %dma_wait3A_91 = tpu.memref_slice %arg11[%dma_wait3A_89, %dma_wait3A_90] : memref<10240x128xbf16, #tpu.memory_space<vmem_shared>> -> memref<10240x128xbf16, #tpu.memory_space<vmem_shared>>
        tpu.wait_indirect_dma semaphore(%run_scoped3A_79 : memref<!tpu.dma_semaphore, #tpu.memory_space<semaphore_mem>>) src(%arg9 : memref<128x128xbf16, #tpu.memory_space<vmem>>) dst(%dma_wait3A_91 : memref<10240x128xbf16, #tpu.memory_space<vmem_shared>>)
        tpu.yield
      }) : () -> ()
      %add3A_57 = arith.constant 2 : i32
      %add3A_58 = arith.addi %mul3A_48, %add3A_57 : i32
      %dma_start3A_59 = arith.constant 0 : i32
      %dma_start3A_60 = tpu.memref_slice %arg7[%add3A_58, %dma_start3A_59] : memref<80x128xi32, #tpu.memory_space<vmem>> -> memref<1x128xi32, #tpu.memory_space<vmem>>
      %dma_start3A_61 = tpu.memref_squeeze %dma_start3A_60 : memref<1x128xi32, #tpu.memory_space<vmem>> -> memref<128xi32, #tpu.memory_space<vmem>>
      %dma_start3A_62 = arith.constant 0 : i32
      %dma_start3A_63 = arith.constant 0 : i32
      %dma_start3A_64 = tpu.memref_slice %arg2[%dma_start3A_62, %dma_start3A_63] : memref<10240x128xbf16, #tpu.memory_space<hbm>> -> memref<10240x128xbf16, #tpu.memory_space<hbm>>
      tpu.enqueue_indirect_dma source(%dma_start3A_64 : memref<10240x128xbf16, #tpu.memory_space<hbm>>) target(%arg9 : memref<128x128xbf16, #tpu.memory_space<vmem>>) offsets(%dma_start3A_61 : memref<128xi32, #tpu.memory_space<vmem>>) semaphore(%arg12 : memref<!tpu.dma_semaphore, #tpu.memory_space<semaphore_mem>>)
      %dma_wait3A_65 = arith.constant 0 : i32
      %dma_wait3A_66 = tpu.memref_slice %arg7[%add3A_50, %dma_wait3A_65] : memref<80x128xi32, #tpu.memory_space<vmem>> -> memref<1x128xi32, #tpu.memory_space<vmem>>
      %dma_wait3A_67 = tpu.memref_squeeze %dma_wait3A_66 : memref<1x128xi32, #tpu.memory_space<vmem>> -> memref<128xi32, #tpu.memory_space<vmem>>
      %dma_wait3A_68 = arith.constant 0 : i32
      %dma_wait3A_69 = arith.constant 0 : i32
      %dma_wait3A_70 = tpu.memref_slice %arg2[%dma_wait3A_68, %dma_wait3A_69] : memref<10240x128xbf16, #tpu.memory_space<hbm>> -> memref<10240x128xbf16, #tpu.memory_space<hbm>>
      tpu.wait_indirect_dma semaphore(%arg13 : memref<!tpu.dma_semaphore, #tpu.memory_space<semaphore_mem>>) src(%dma_wait3A_70 : memref<10240x128xbf16, #tpu.memory_space<hbm>>) dst(%arg10 : memref<128x128xbf16, #tpu.memory_space<vmem>>)
      "tpu.region"() ({
        %run_scoped3A_79 = tpu.sem_alloc : memref<!tpu.dma_semaphore, #tpu.memory_space<semaphore_mem>>
        %dma_start3A_80 = arith.constant 0 : i32
        %dma_start3A_81 = tpu.memref_slice %arg8[%add3A_50, %dma_start3A_80] : memref<80x128xi32, #tpu.memory_space<vmem>> -> memref<1x128xi32, #tpu.memory_space<vmem>>
        %dma_start3A_82 = tpu.memref_squeeze %dma_start3A_81 : memref<1x128xi32, #tpu.memory_space<vmem>> -> memref<128xi32, #tpu.memory_space<vmem>>
        %dma_start3A_83 = arith.constant 0 : i32
        %dma_start3A_84 = arith.constant 0 : i32
        %dma_start3A_85 = tpu.memref_slice %arg11[%dma_start3A_83, %dma_start3A_84] : memref<10240x128xbf16, #tpu.memory_space<vmem_shared>> -> memref<10240x128xbf16, #tpu.memory_space<vmem_shared>>
        tpu.enqueue_indirect_dma source(%arg10 : memref<128x128xbf16, #tpu.memory_space<vmem>>) target(%dma_start3A_85 : memref<10240x128xbf16, #tpu.memory_space<vmem_shared>>) offsets(%dma_start3A_82 : memref<128xi32, #tpu.memory_space<vmem>>) semaphore(%run_scoped3A_79 : memref<!tpu.dma_semaphore, #tpu.memory_space<semaphore_mem>>) {add = true}
        %dma_wait3A_86 = arith.constant 0 : i32
        %dma_wait3A_87 = tpu.memref_slice %arg8[%add3A_50, %dma_wait3A_86] : memref<80x128xi32, #tpu.memory_space<vmem>> -> memref<1x128xi32, #tpu.memory_space<vmem>>
        %dma_wait3A_88 = tpu.memref_squeeze %dma_wait3A_87 : memref<1x128xi32, #tpu.memory_space<vmem>> -> memref<128xi32, #tpu.memory_space<vmem>>
        %dma_wait3A_89 = arith.constant 0 : i32
        %dma_wait3A_90 = arith.constant 0 : i32
        %dma_wait3A_91 = tpu.memref_slice %arg11[%dma_wait3A_89, %dma_wait3A_90] : memref<10240x128xbf16, #tpu.memory_space<vmem_shared>> -> memref<10240x128xbf16, #tpu.memory_space<vmem_shared>>
        tpu.wait_indirect_dma semaphore(%run_scoped3A_79 : memref<!tpu.dma_semaphore, #tpu.memory_space<semaphore_mem>>) src(%arg10 : memref<128x128xbf16, #tpu.memory_space<vmem>>) dst(%dma_wait3A_91 : memref<10240x128xbf16, #tpu.memory_space<vmem_shared>>)
        tpu.yield
      }) : () -> ()
      %add3A_71 = arith.constant 2 : i32
      %add3A_72 = arith.addi %add3A_50, %add3A_71 : i32
      %dma_start3A_73 = arith.constant 0 : i32
      %dma_start3A_74 = tpu.memref_slice %arg7[%add3A_72, %dma_start3A_73] : memref<80x128xi32, #tpu.memory_space<vmem>> -> memref<1x128xi32, #tpu.memory_space<vmem>>
      %dma_start3A_75 = tpu.memref_squeeze %dma_start3A_74 : memref<1x128xi32, #tpu.memory_space<vmem>> -> memref<128xi32, #tpu.memory_space<vmem>>
      %dma_start3A_76 = arith.constant 0 : i32
      %dma_start3A_77 = arith.constant 0 : i32
      %dma_start3A_78 = tpu.memref_slice %arg2[%dma_start3A_76, %dma_start3A_77] : memref<10240x128xbf16, #tpu.memory_space<hbm>> -> memref<10240x128xbf16, #tpu.memory_space<hbm>>
      tpu.enqueue_indirect_dma source(%dma_start3A_78 : memref<10240x128xbf16, #tpu.memory_space<hbm>>) target(%arg10 : memref<128x128xbf16, #tpu.memory_space<vmem>>) offsets(%dma_start3A_75 : memref<128xi32, #tpu.memory_space<vmem>>) semaphore(%arg13 : memref<!tpu.dma_semaphore, #tpu.memory_space<semaphore_mem>>)
    }
    %scan3A_30 = arith.constant 39 : i32
    %dma_wait3A = arith.constant 78 : i32
    %dma_wait3A_31 = arith.constant 0 : i32
    %dma_wait3A_32 = tpu.memref_slice %arg7[%dma_wait3A, %dma_wait3A_31] : memref<80x128xi32, #tpu.memory_space<vmem>> -> memref<1x128xi32, #tpu.memory_space<vmem>>
    %dma_wait3A_33 = tpu.memref_squeeze %dma_wait3A_32 : memref<1x128xi32, #tpu.memory_space<vmem>> -> memref<128xi32, #tpu.memory_space<vmem>>
    %dma_wait3A_34 = arith.constant 0 : i32
    %dma_wait3A_35 = arith.constant 0 : i32
    %dma_wait3A_36 = tpu.memref_slice %arg2[%dma_wait3A_34, %dma_wait3A_35] : memref<10240x128xbf16, #tpu.memory_space<hbm>> -> memref<10240x128xbf16, #tpu.memory_space<hbm>>
    tpu.wait_indirect_dma semaphore(%arg12 : memref<!tpu.dma_semaphore, #tpu.memory_space<semaphore_mem>>) src(%dma_wait3A_36 : memref<10240x128xbf16, #tpu.memory_space<hbm>>) dst(%arg9 : memref<128x128xbf16, #tpu.memory_space<vmem>>)
    %run_scoped3A = arith.constant 78 : i32
    "tpu.region"() ({
      %run_scoped3A_46 = tpu.sem_alloc : memref<!tpu.dma_semaphore, #tpu.memory_space<semaphore_mem>>
      %dma_start3A_47 = arith.constant 0 : i32
      %dma_start3A_48 = tpu.memref_slice %arg8[%run_scoped3A, %dma_start3A_47] : memref<80x128xi32, #tpu.memory_space<vmem>> -> memref<1x128xi32, #tpu.memory_space<vmem>>
      %dma_start3A_49 = tpu.memref_squeeze %dma_start3A_48 : memref<1x128xi32, #tpu.memory_space<vmem>> -> memref<128xi32, #tpu.memory_space<vmem>>
      %dma_start3A_50 = arith.constant 0 : i32
      %dma_start3A_51 = arith.constant 0 : i32
      %dma_start3A_52 = tpu.memref_slice %arg11[%dma_start3A_50, %dma_start3A_51] : memref<10240x128xbf16, #tpu.memory_space<vmem_shared>> -> memref<10240x128xbf16, #tpu.memory_space<vmem_shared>>
      tpu.enqueue_indirect_dma source(%arg9 : memref<128x128xbf16, #tpu.memory_space<vmem>>) target(%dma_start3A_52 : memref<10240x128xbf16, #tpu.memory_space<vmem_shared>>) offsets(%dma_start3A_49 : memref<128xi32, #tpu.memory_space<vmem>>) semaphore(%run_scoped3A_46 : memref<!tpu.dma_semaphore, #tpu.memory_space<semaphore_mem>>) {add = true}
      %dma_wait3A_53 = arith.constant 0 : i32
      %dma_wait3A_54 = tpu.memref_slice %arg8[%run_scoped3A, %dma_wait3A_53] : memref<80x128xi32, #tpu.memory_space<vmem>> -> memref<1x128xi32, #tpu.memory_space<vmem>>
      %dma_wait3A_55 = tpu.memref_squeeze %dma_wait3A_54 : memref<1x128xi32, #tpu.memory_space<vmem>> -> memref<128xi32, #tpu.memory_space<vmem>>
      %dma_wait3A_56 = arith.constant 0 : i32
      %dma_wait3A_57 = arith.constant 0 : i32
      %dma_wait3A_58 = tpu.memref_slice %arg11[%dma_wait3A_56, %dma_wait3A_57] : memref<10240x128xbf16, #tpu.memory_space<vmem_shared>> -> memref<10240x128xbf16, #tpu.memory_space<vmem_shared>>
      tpu.wait_indirect_dma semaphore(%run_scoped3A_46 : memref<!tpu.dma_semaphore, #tpu.memory_space<semaphore_mem>>) src(%arg9 : memref<128x128xbf16, #tpu.memory_space<vmem>>) dst(%dma_wait3A_58 : memref<10240x128xbf16, #tpu.memory_space<vmem_shared>>)
      tpu.yield
    }) : () -> ()
    %dma_wait3A_37 = arith.constant 79 : i32
    %dma_wait3A_38 = arith.constant 0 : i32
    %dma_wait3A_39 = tpu.memref_slice %arg7[%dma_wait3A_37, %dma_wait3A_38] : memref<80x128xi32, #tpu.memory_space<vmem>> -> memref<1x128xi32, #tpu.memory_space<vmem>>
    %dma_wait3A_40 = tpu.memref_squeeze %dma_wait3A_39 : memref<1x128xi32, #tpu.memory_space<vmem>> -> memref<128xi32, #tpu.memory_space<vmem>>
    %dma_wait3A_41 = arith.constant 0 : i32
    %dma_wait3A_42 = arith.constant 0 : i32
    %dma_wait3A_43 = tpu.memref_slice %arg2[%dma_wait3A_41, %dma_wait3A_42] : memref<10240x128xbf16, #tpu.memory_space<hbm>> -> memref<10240x128xbf16, #tpu.memory_space<hbm>>
    tpu.wait_indirect_dma semaphore(%arg13 : memref<!tpu.dma_semaphore, #tpu.memory_space<semaphore_mem>>) src(%dma_wait3A_43 : memref<10240x128xbf16, #tpu.memory_space<hbm>>) dst(%arg10 : memref<128x128xbf16, #tpu.memory_space<vmem>>)
    %run_scoped3A_44 = arith.constant 79 : i32
    "tpu.region"() ({
      %run_scoped3A_46 = tpu.sem_alloc : memref<!tpu.dma_semaphore, #tpu.memory_space<semaphore_mem>>
      %dma_start3A_47 = arith.constant 0 : i32
      %dma_start3A_48 = tpu.memref_slice %arg8[%run_scoped3A_44, %dma_start3A_47] : memref<80x128xi32, #tpu.memory_space<vmem>> -> memref<1x128xi32, #tpu.memory_space<vmem>>
      %dma_start3A_49 = tpu.memref_squeeze %dma_start3A_48 : memref<1x128xi32, #tpu.memory_space<vmem>> -> memref<128xi32, #tpu.memory_space<vmem>>
      %dma_start3A_50 = arith.constant 0 : i32
      %dma_start3A_51 = arith.constant 0 : i32
      %dma_start3A_52 = tpu.memref_slice %arg11[%dma_start3A_50, %dma_start3A_51] : memref<10240x128xbf16, #tpu.memory_space<vmem_shared>> -> memref<10240x128xbf16, #tpu.memory_space<vmem_shared>>
      tpu.enqueue_indirect_dma source(%arg10 : memref<128x128xbf16, #tpu.memory_space<vmem>>) target(%dma_start3A_52 : memref<10240x128xbf16, #tpu.memory_space<vmem_shared>>) offsets(%dma_start3A_49 : memref<128xi32, #tpu.memory_space<vmem>>) semaphore(%run_scoped3A_46 : memref<!tpu.dma_semaphore, #tpu.memory_space<semaphore_mem>>) {add = true}
      %dma_wait3A_53 = arith.constant 0 : i32
      %dma_wait3A_54 = tpu.memref_slice %arg8[%run_scoped3A_44, %dma_wait3A_53] : memref<80x128xi32, #tpu.memory_space<vmem>> -> memref<1x128xi32, #tpu.memory_space<vmem>>
      %dma_wait3A_55 = tpu.memref_squeeze %dma_wait3A_54 : memref<1x128xi32, #tpu.memory_space<vmem>> -> memref<128xi32, #tpu.memory_space<vmem>>
      %dma_wait3A_56 = arith.constant 0 : i32
      %dma_wait3A_57 = arith.constant 0 : i32
      %dma_wait3A_58 = tpu.memref_slice %arg11[%dma_wait3A_56, %dma_wait3A_57] : memref<10240x128xbf16, #tpu.memory_space<vmem_shared>> -> memref<10240x128xbf16, #tpu.memory_space<vmem_shared>>
      tpu.wait_indirect_dma semaphore(%run_scoped3A_46 : memref<!tpu.dma_semaphore, #tpu.memory_space<semaphore_mem>>) src(%arg10 : memref<128x128xbf16, #tpu.memory_space<vmem>>) dst(%dma_wait3A_58 : memref<10240x128xbf16, #tpu.memory_space<vmem_shared>>)
      tpu.yield
    }) : () -> ()
    %barrier3A_45 = arith.constant 0 : index
    tpu.barrier barrier_id(%barrier3A_45)
    "tpu.region"() ({
      %run_scoped3A_46 = tpu.sem_alloc : memref<!tpu.dma_semaphore, #tpu.memory_space<semaphore_mem>>
      %dma_start3A_47 = arith.constant 0 : i32
      %dma_start3A_48 = tpu.memref_slice %arg6[%arg0, %mul3A_2, %dma_start3A_47] : memref<2x10240x128xbf16, #tpu.memory_space<hbm>> -> memref<1x640x128xbf16, #tpu.memory_space<hbm>>
      %dma_start3A_49 = tpu.memref_squeeze %dma_start3A_48 : memref<1x640x128xbf16, #tpu.memory_space<hbm>> -> memref<640x128xbf16, #tpu.memory_space<hbm>>
      %dma_start3A_50 = arith.constant 0 : i32
      %dma_start3A_51 = tpu.memref_slice %arg11[%mul3A_2, %dma_start3A_50] : memref<10240x128xbf16, #tpu.memory_space<vmem_shared>> -> memref<640x128xbf16, #tpu.memory_space<vmem_shared>>
      tpu.enqueue_dma source(%dma_start3A_51 : memref<640x128xbf16, #tpu.memory_space<vmem_shared>>) target(%dma_start3A_49 : memref<640x128xbf16, #tpu.memory_space<hbm>>) target_semaphore(%run_scoped3A_46 : memref<!tpu.dma_semaphore, #tpu.memory_space<semaphore_mem>>)
      %dma_wait3A_52 = arith.constant 0 : i32
      %dma_wait3A_53 = tpu.memref_slice %arg6[%arg0, %mul3A_2, %dma_wait3A_52] : memref<2x10240x128xbf16, #tpu.memory_space<hbm>> -> memref<1x640x128xbf16, #tpu.memory_space<hbm>>
      %dma_wait3A_54 = tpu.memref_squeeze %dma_wait3A_53 : memref<1x640x128xbf16, #tpu.memory_space<hbm>> -> memref<640x128xbf16, #tpu.memory_space<hbm>>
      %dma_wait3A_55 = arith.constant 0 : i32
      %dma_wait3A_56 = tpu.memref_slice %arg11[%mul3A_2, %dma_wait3A_55] : memref<10240x128xbf16, #tpu.memory_space<vmem_shared>> -> memref<640x128xbf16, #tpu.memory_space<vmem_shared>>
      tpu.wait_dma2 semaphore(%run_scoped3A_46 : memref<!tpu.dma_semaphore, #tpu.memory_space<semaphore_mem>>) src(%dma_wait3A_56 : memref<640x128xbf16, #tpu.memory_space<vmem_shared>>) dst(%dma_wait3A_54 : memref<640x128xbf16, #tpu.memory_space<hbm>>)
      tpu.yield
    }) : () -> ()
    return
  }
}

#map = affine_map<(d0, d1) -> (0, 0)>
#map1 = affine_map<(d0, d1) -> (0)>
#map2 = affine_map<(d0, d1) -> (0, 0, 0)>
module attributes {stable_mosaic.version = 14 : i64} {
  func.func @_deg_body(%arg0: i32, %arg1: i32, %arg2: memref<32x10240xi32, #tpu.memory_space<hbm>>, %arg3: memref<32x10240xi32, #tpu.memory_space<hbm>>, %arg4: memref<10240xf32, #tpu.memory_space<hbm>>, %arg5: memref<2x32x10240xf32, #tpu.memory_space<hbm>>, %arg6: memref<10240xi32, #tpu.memory_space<vmem>>, %arg7: memref<10240xi32, #tpu.memory_space<vmem>>, %arg8: memref<10240xf32, #tpu.memory_space<vmem>>, %arg9: memref<10240xf32, #tpu.memory_space<vmem>>) attributes {dimension_semantics = [#tpu.dimension_semantics<core_parallel>, #tpu.dimension_semantics<subcore_parallel>], iteration_bounds = array<i64: 2, 16>, scalar_prefetch = 0 : i64, scratch_operands = 4 : i64, tpu.core_type = #tpu.core_type<sc_vector_subcore>, window_params = [{transform_indices = #map}, {transform_indices = #map}, {transform_indices = #map1}, {transform_indices = #map2}]} {
    %mul3A = arith.constant 2 : i32
    %mul3A_0 = arith.muli %arg1, %mul3A : i32
    %add3A = arith.addi %mul3A_0, %arg0 : i32
    "tpu.region"() ({
      %run_scoped3A_8 = tpu.sem_alloc : memref<!tpu.dma_semaphore, #tpu.memory_space<semaphore_mem>>
      %dma_start3A = arith.constant 0 : i32
      %dma_start3A_9 = tpu.memref_slice %arg2[%add3A, %dma_start3A] : memref<32x10240xi32, #tpu.memory_space<hbm>> -> memref<1x10240xi32, #tpu.memory_space<hbm>>
      %dma_start3A_10 = tpu.memref_squeeze %dma_start3A_9 : memref<1x10240xi32, #tpu.memory_space<hbm>> -> memref<10240xi32, #tpu.memory_space<hbm>>
      %dma_start3A_11 = arith.constant 0 : i32
      %dma_start3A_12 = tpu.memref_slice %arg2[%add3A, %dma_start3A_11] : memref<32x10240xi32, #tpu.memory_space<hbm>> -> memref<1x10240xi32, #tpu.memory_space<hbm>>
      %dma_start3A_13 = tpu.memref_squeeze %dma_start3A_12 : memref<1x10240xi32, #tpu.memory_space<hbm>> -> memref<10240xi32, #tpu.memory_space<hbm>>
      tpu.enqueue_dma source(%dma_start3A_13 : memref<10240xi32, #tpu.memory_space<hbm>>) target(%arg6 : memref<10240xi32, #tpu.memory_space<vmem>>) target_semaphore(%run_scoped3A_8 : memref<!tpu.dma_semaphore, #tpu.memory_space<semaphore_mem>>)
      %dma_wait3A = arith.constant 0 : i32
      %dma_wait3A_14 = tpu.memref_slice %arg2[%add3A, %dma_wait3A] : memref<32x10240xi32, #tpu.memory_space<hbm>> -> memref<1x10240xi32, #tpu.memory_space<hbm>>
      %dma_wait3A_15 = tpu.memref_squeeze %dma_wait3A_14 : memref<1x10240xi32, #tpu.memory_space<hbm>> -> memref<10240xi32, #tpu.memory_space<hbm>>
      %dma_wait3A_16 = arith.constant 0 : i32
      %dma_wait3A_17 = tpu.memref_slice %arg2[%add3A, %dma_wait3A_16] : memref<32x10240xi32, #tpu.memory_space<hbm>> -> memref<1x10240xi32, #tpu.memory_space<hbm>>
      %dma_wait3A_18 = tpu.memref_squeeze %dma_wait3A_17 : memref<1x10240xi32, #tpu.memory_space<hbm>> -> memref<10240xi32, #tpu.memory_space<hbm>>
      tpu.wait_dma2 semaphore(%run_scoped3A_8 : memref<!tpu.dma_semaphore, #tpu.memory_space<semaphore_mem>>) src(%dma_wait3A_18 : memref<10240xi32, #tpu.memory_space<hbm>>) dst(%arg6 : memref<10240xi32, #tpu.memory_space<vmem>>)
      tpu.yield
    }) : () -> ()
    "tpu.region"() ({
      %run_scoped3A_8 = tpu.sem_alloc : memref<!tpu.dma_semaphore, #tpu.memory_space<semaphore_mem>>
      %dma_start3A = arith.constant 0 : i32
      %dma_start3A_9 = tpu.memref_slice %arg3[%add3A, %dma_start3A] : memref<32x10240xi32, #tpu.memory_space<hbm>> -> memref<1x10240xi32, #tpu.memory_space<hbm>>
      %dma_start3A_10 = tpu.memref_squeeze %dma_start3A_9 : memref<1x10240xi32, #tpu.memory_space<hbm>> -> memref<10240xi32, #tpu.memory_space<hbm>>
      %dma_start3A_11 = arith.constant 0 : i32
      %dma_start3A_12 = tpu.memref_slice %arg3[%add3A, %dma_start3A_11] : memref<32x10240xi32, #tpu.memory_space<hbm>> -> memref<1x10240xi32, #tpu.memory_space<hbm>>
      %dma_start3A_13 = tpu.memref_squeeze %dma_start3A_12 : memref<1x10240xi32, #tpu.memory_space<hbm>> -> memref<10240xi32, #tpu.memory_space<hbm>>
      tpu.enqueue_dma source(%dma_start3A_13 : memref<10240xi32, #tpu.memory_space<hbm>>) target(%arg7 : memref<10240xi32, #tpu.memory_space<vmem>>) target_semaphore(%run_scoped3A_8 : memref<!tpu.dma_semaphore, #tpu.memory_space<semaphore_mem>>)
      %dma_wait3A = arith.constant 0 : i32
      %dma_wait3A_14 = tpu.memref_slice %arg3[%add3A, %dma_wait3A] : memref<32x10240xi32, #tpu.memory_space<hbm>> -> memref<1x10240xi32, #tpu.memory_space<hbm>>
      %dma_wait3A_15 = tpu.memref_squeeze %dma_wait3A_14 : memref<1x10240xi32, #tpu.memory_space<hbm>> -> memref<10240xi32, #tpu.memory_space<hbm>>
      %dma_wait3A_16 = arith.constant 0 : i32
      %dma_wait3A_17 = tpu.memref_slice %arg3[%add3A, %dma_wait3A_16] : memref<32x10240xi32, #tpu.memory_space<hbm>> -> memref<1x10240xi32, #tpu.memory_space<hbm>>
      %dma_wait3A_18 = tpu.memref_squeeze %dma_wait3A_17 : memref<1x10240xi32, #tpu.memory_space<hbm>> -> memref<10240xi32, #tpu.memory_space<hbm>>
      tpu.wait_dma2 semaphore(%run_scoped3A_8 : memref<!tpu.dma_semaphore, #tpu.memory_space<semaphore_mem>>) src(%dma_wait3A_18 : memref<10240xi32, #tpu.memory_space<hbm>>) dst(%arg7 : memref<10240xi32, #tpu.memory_space<vmem>>)
      tpu.yield
    }) : () -> ()
    "tpu.region"() ({
      %run_scoped3A_8 = tpu.sem_alloc : memref<!tpu.dma_semaphore, #tpu.memory_space<semaphore_mem>>
      tpu.enqueue_dma source(%arg4 : memref<10240xf32, #tpu.memory_space<hbm>>) target(%arg8 : memref<10240xf32, #tpu.memory_space<vmem>>) target_semaphore(%run_scoped3A_8 : memref<!tpu.dma_semaphore, #tpu.memory_space<semaphore_mem>>)
      tpu.wait_dma2 semaphore(%run_scoped3A_8 : memref<!tpu.dma_semaphore, #tpu.memory_space<semaphore_mem>>) src(%arg4 : memref<10240xf32, #tpu.memory_space<hbm>>) dst(%arg8 : memref<10240xf32, #tpu.memory_space<vmem>>)
      tpu.yield
    }) : () -> ()
    "tpu.region"() ({
      %run_scoped3A_8 = tpu.sem_alloc : memref<!tpu.dma_semaphore, #tpu.memory_space<semaphore_mem>>
      tpu.enqueue_dma source(%arg4 : memref<10240xf32, #tpu.memory_space<hbm>>) target(%arg9 : memref<10240xf32, #tpu.memory_space<vmem>>) target_semaphore(%run_scoped3A_8 : memref<!tpu.dma_semaphore, #tpu.memory_space<semaphore_mem>>)
      tpu.wait_dma2 semaphore(%run_scoped3A_8 : memref<!tpu.dma_semaphore, #tpu.memory_space<semaphore_mem>>) src(%arg4 : memref<10240xf32, #tpu.memory_space<hbm>>) dst(%arg9 : memref<10240xf32, #tpu.memory_space<vmem>>)
      tpu.yield
    }) : () -> ()
    %broadcast_in_dim3A = arith.constant 1.000000e+00 : f32
    %broadcast_in_dim3A_1 = vector.broadcast %broadcast_in_dim3A : f32 to vector<16xf32>
    %scan3A = arith.constant 0 : i32
    %scan3A_2 = arith.constant 0 : i32
    %scan3A_3 = arith.constant 160 : i32
    %scan3A_4 = arith.addi %scan3A_2, %scan3A_3 : i32
    %scan3A_5 = arith.constant 1 : i32
    scf.for %scan3A_8 = %scan3A_2 to %scan3A_4 step %scan3A_5  : i32 {
      %mul3A_9 = arith.constant 64 : i32
      %mul3A_10 = arith.muli %scan3A_8, %mul3A_9 : i32
      %add3A_11 = arith.constant 0 : i32
      %add3A_12 = arith.addi %mul3A_10, %add3A_11 : i32
      %get3A = arith.index_cast %add3A_12 : i32 to index
      %get3A_13 = tpu.vector_load %arg6[%get3A] {strides = array<i32>} : memref<10240xi32, #tpu.memory_space<vmem>>, vector<16xi32>,
      %mul3A_14 = arith.constant 64 : i32
      %mul3A_15 = arith.muli %scan3A_8, %mul3A_14 : i32
      %add3A_16 = arith.constant 0 : i32
      %add3A_17 = arith.addi %mul3A_15, %add3A_16 : i32
      %get3A_18 = arith.index_cast %add3A_17 : i32 to index
      %get3A_19 = tpu.vector_load %arg7[%get3A_18] {strides = array<i32>} : memref<10240xi32, #tpu.memory_space<vmem>>, vector<16xi32>,
      tpu.vector_store_idx %arg8[%get3A_13], %broadcast_in_dim3A_1 {add = true} : memref<10240xf32, #tpu.memory_space<vmem>>[vector<16xi32>], vector<16xf32>,
      tpu.vector_store_idx %arg9[%get3A_19], %broadcast_in_dim3A_1 {add = true} : memref<10240xf32, #tpu.memory_space<vmem>>[vector<16xi32>], vector<16xf32>,
      %mul3A_20 = arith.constant 64 : i32
      %mul3A_21 = arith.muli %scan3A_8, %mul3A_20 : i32
      %add3A_22 = arith.constant 16 : i32
      %add3A_23 = arith.addi %mul3A_21, %add3A_22 : i32
      %get3A_24 = arith.index_cast %add3A_23 : i32 to index
      %get3A_25 = tpu.vector_load %arg6[%get3A_24] {strides = array<i32>} : memref<10240xi32, #tpu.memory_space<vmem>>, vector<16xi32>,
      %mul3A_26 = arith.constant 64 : i32
      %mul3A_27 = arith.muli %scan3A_8, %mul3A_26 : i32
      %add3A_28 = arith.constant 16 : i32
      %add3A_29 = arith.addi %mul3A_27, %add3A_28 : i32
      %get3A_30 = arith.index_cast %add3A_29 : i32 to index
      %get3A_31 = tpu.vector_load %arg7[%get3A_30] {strides = array<i32>} : memref<10240xi32, #tpu.memory_space<vmem>>, vector<16xi32>,
      tpu.vector_store_idx %arg8[%get3A_25], %broadcast_in_dim3A_1 {add = true} : memref<10240xf32, #tpu.memory_space<vmem>>[vector<16xi32>], vector<16xf32>,
      tpu.vector_store_idx %arg9[%get3A_31], %broadcast_in_dim3A_1 {add = true} : memref<10240xf32, #tpu.memory_space<vmem>>[vector<16xi32>], vector<16xf32>,
      %mul3A_32 = arith.constant 64 : i32
      %mul3A_33 = arith.muli %scan3A_8, %mul3A_32 : i32
      %add3A_34 = arith.constant 32 : i32
      %add3A_35 = arith.addi %mul3A_33, %add3A_34 : i32
      %get3A_36 = arith.index_cast %add3A_35 : i32 to index
      %get3A_37 = tpu.vector_load %arg6[%get3A_36] {strides = array<i32>} : memref<10240xi32, #tpu.memory_space<vmem>>, vector<16xi32>,
      %mul3A_38 = arith.constant 64 : i32
      %mul3A_39 = arith.muli %scan3A_8, %mul3A_38 : i32
      %add3A_40 = arith.constant 32 : i32
      %add3A_41 = arith.addi %mul3A_39, %add3A_40 : i32
      %get3A_42 = arith.index_cast %add3A_41 : i32 to index
      %get3A_43 = tpu.vector_load %arg7[%get3A_42] {strides = array<i32>} : memref<10240xi32, #tpu.memory_space<vmem>>, vector<16xi32>,
      tpu.vector_store_idx %arg8[%get3A_37], %broadcast_in_dim3A_1 {add = true} : memref<10240xf32, #tpu.memory_space<vmem>>[vector<16xi32>], vector<16xf32>,
      tpu.vector_store_idx %arg9[%get3A_43], %broadcast_in_dim3A_1 {add = true} : memref<10240xf32, #tpu.memory_space<vmem>>[vector<16xi32>], vector<16xf32>,
      %mul3A_44 = arith.constant 64 : i32
      %mul3A_45 = arith.muli %scan3A_8, %mul3A_44 : i32
      %add3A_46 = arith.constant 48 : i32
      %add3A_47 = arith.addi %mul3A_45, %add3A_46 : i32
      %get3A_48 = arith.index_cast %add3A_47 : i32 to index
      %get3A_49 = tpu.vector_load %arg6[%get3A_48] {strides = array<i32>} : memref<10240xi32, #tpu.memory_space<vmem>>, vector<16xi32>,
      %mul3A_50 = arith.constant 64 : i32
      %mul3A_51 = arith.muli %scan3A_8, %mul3A_50 : i32
      %add3A_52 = arith.constant 48 : i32
      %add3A_53 = arith.addi %mul3A_51, %add3A_52 : i32
      %get3A_54 = arith.index_cast %add3A_53 : i32 to index
      %get3A_55 = tpu.vector_load %arg7[%get3A_54] {strides = array<i32>} : memref<10240xi32, #tpu.memory_space<vmem>>, vector<16xi32>,
      tpu.vector_store_idx %arg8[%get3A_49], %broadcast_in_dim3A_1 {add = true} : memref<10240xf32, #tpu.memory_space<vmem>>[vector<16xi32>], vector<16xf32>,
      tpu.vector_store_idx %arg9[%get3A_55], %broadcast_in_dim3A_1 {add = true} : memref<10240xf32, #tpu.memory_space<vmem>>[vector<16xi32>], vector<16xf32>,
    }
    %scan3A_6 = arith.constant 160 : i32
    %run_scoped3A = arith.constant 0 : i32
    "tpu.region"() ({
      %run_scoped3A_8 = tpu.sem_alloc : memref<!tpu.dma_semaphore, #tpu.memory_space<semaphore_mem>>
      %dma_start3A = arith.constant 0 : i32
      %dma_start3A_9 = tpu.memref_slice %arg5[%run_scoped3A, %add3A, %dma_start3A] : memref<2x32x10240xf32, #tpu.memory_space<hbm>> -> memref<1x1x10240xf32, #tpu.memory_space<hbm>>
      %dma_start3A_10 = tpu.memref_squeeze %dma_start3A_9 : memref<1x1x10240xf32, #tpu.memory_space<hbm>> -> memref<10240xf32, #tpu.memory_space<hbm>>
      %dma_start3A_11 = arith.constant 0 : i32
      %dma_start3A_12 = tpu.memref_slice %arg5[%run_scoped3A, %add3A, %dma_start3A_11] : memref<2x32x10240xf32, #tpu.memory_space<hbm>> -> memref<1x1x10240xf32, #tpu.memory_space<hbm>>
      %dma_start3A_13 = tpu.memref_squeeze %dma_start3A_12 : memref<1x1x10240xf32, #tpu.memory_space<hbm>> -> memref<10240xf32, #tpu.memory_space<hbm>>
      tpu.enqueue_dma source(%arg8 : memref<10240xf32, #tpu.memory_space<vmem>>) target(%dma_start3A_13 : memref<10240xf32, #tpu.memory_space<hbm>>) target_semaphore(%run_scoped3A_8 : memref<!tpu.dma_semaphore, #tpu.memory_space<semaphore_mem>>)
      %dma_wait3A = arith.constant 0 : i32
      %dma_wait3A_14 = tpu.memref_slice %arg5[%run_scoped3A, %add3A, %dma_wait3A] : memref<2x32x10240xf32, #tpu.memory_space<hbm>> -> memref<1x1x10240xf32, #tpu.memory_space<hbm>>
      %dma_wait3A_15 = tpu.memref_squeeze %dma_wait3A_14 : memref<1x1x10240xf32, #tpu.memory_space<hbm>> -> memref<10240xf32, #tpu.memory_space<hbm>>
      %dma_wait3A_16 = arith.constant 0 : i32
      %dma_wait3A_17 = tpu.memref_slice %arg5[%run_scoped3A, %add3A, %dma_wait3A_16] : memref<2x32x10240xf32, #tpu.memory_space<hbm>> -> memref<1x1x10240xf32, #tpu.memory_space<hbm>>
      %dma_wait3A_18 = tpu.memref_squeeze %dma_wait3A_17 : memref<1x1x10240xf32, #tpu.memory_space<hbm>> -> memref<10240xf32, #tpu.memory_space<hbm>>
      tpu.wait_dma2 semaphore(%run_scoped3A_8 : memref<!tpu.dma_semaphore, #tpu.memory_space<semaphore_mem>>) src(%arg8 : memref<10240xf32, #tpu.memory_space<vmem>>) dst(%dma_wait3A_18 : memref<10240xf32, #tpu.memory_space<hbm>>)
      tpu.yield
    }) : () -> ()
    %run_scoped3A_7 = arith.constant 1 : i32
    "tpu.region"() ({
      %run_scoped3A_8 = tpu.sem_alloc : memref<!tpu.dma_semaphore, #tpu.memory_space<semaphore_mem>>
      %dma_start3A = arith.constant 0 : i32
      %dma_start3A_9 = tpu.memref_slice %arg5[%run_scoped3A_7, %add3A, %dma_start3A] : memref<2x32x10240xf32, #tpu.memory_space<hbm>> -> memref<1x1x10240xf32, #tpu.memory_space<hbm>>
      %dma_start3A_10 = tpu.memref_squeeze %dma_start3A_9 : memref<1x1x10240xf32, #tpu.memory_space<hbm>> -> memref<10240xf32, #tpu.memory_space<hbm>>
      %dma_start3A_11 = arith.constant 0 : i32
      %dma_start3A_12 = tpu.memref_slice %arg5[%run_scoped3A_7, %add3A, %dma_start3A_11] : memref<2x32x10240xf32, #tpu.memory_space<hbm>> -> memref<1x1x10240xf32, #tpu.memory_space<hbm>>
      %dma_start3A_13 = tpu.memref_squeeze %dma_start3A_12 : memref<1x1x10240xf32, #tpu.memory_space<hbm>> -> memref<10240xf32, #tpu.memory_space<hbm>>
      tpu.enqueue_dma source(%arg9 : memref<10240xf32, #tpu.memory_space<vmem>>) target(%dma_start3A_13 : memref<10240xf32, #tpu.memory_space<hbm>>) target_semaphore(%run_scoped3A_8 : memref<!tpu.dma_semaphore, #tpu.memory_space<semaphore_mem>>)
      %dma_wait3A = arith.constant 0 : i32
      %dma_wait3A_14 = tpu.memref_slice %arg5[%run_scoped3A_7, %add3A, %dma_wait3A] : memref<2x32x10240xf32, #tpu.memory_space<hbm>> -> memref<1x1x10240xf32, #tpu.memory_space<hbm>>
      %dma_wait3A_15 = tpu.memref_squeeze %dma_wait3A_14 : memref<1x1x10240xf32, #tpu.memory_space<hbm>> -> memref<10240xf32, #tpu.memory_space<hbm>>
      %dma_wait3A_16 = arith.constant 0 : i32
      %dma_wait3A_17 = tpu.memref_slice %arg5[%run_scoped3A_7, %add3A, %dma_wait3A_16] : memref<2x32x10240xf32, #tpu.memory_space<hbm>> -> memref<1x1x10240xf32, #tpu.memory_space<hbm>>
      %dma_wait3A_18 = tpu.memref_squeeze %dma_wait3A_17 : memref<1x1x10240xf32, #tpu.memory_space<hbm>> -> memref<10240xf32, #tpu.memory_space<hbm>>
      tpu.wait_dma2 semaphore(%run_scoped3A_8 : memref<!tpu.dma_semaphore, #tpu.memory_space<semaphore_mem>>) src(%arg9 : memref<10240xf32, #tpu.memory_space<vmem>>) dst(%dma_wait3A_18 : memref<10240xf32, #tpu.memory_space<hbm>>)
      tpu.yield
    }) : () -> ()
    return
  }
}

module attributes {stable_mosaic.version = 14 : i64} {
  func.func @_l1_body(%arg0: i32, %arg1: memref<1280x128xf32, #tpu.memory_space<vmem>>, %arg2: memref<128x128xf32, #tpu.memory_space<vmem>>, %arg3: memref<1x32x1280xf32, #tpu.memory_space<vmem>>, %arg4: memref<1280x128xbf16, #tpu.memory_space<vmem>>) attributes {dimension_semantics = [#tpu.dimension_semantics<arbitrary>], iteration_bounds = array<i64: 8>, scalar_prefetch = 0 : i64, scratch_operands = 0 : i64, tpu.core_type = #tpu.core_type<tc>, window_params = [{transform_indices = @transform_0, window_bounds = array<i64: 1280, 128>}, {pipeline_mode = #tpu.pipeline_mode<synchronous>, transform_indices = @transform_1, window_bounds = array<i64: 128, 128>}, {transform_indices = @transform_2, window_bounds = array<i64: 1, 32, 1280>}, {transform_indices = @transform_3, window_bounds = array<i64: 1280, 128>}]} {
    %get3A = arith.constant 0 : index
    %get3A_0 = arith.constant 0 : index
    %get3A_1 = arith.constant 0 : index
    %get3A_2 = vector.load %arg3[%get3A, %get3A_0, %get3A_1] : memref<1x32x1280xf32, #tpu.memory_space<vmem>>, vector<1x32x1280xf32>
    %get3A_3 = vector.shape_cast %get3A_2 : vector<1x32x1280xf32> to vector<32x1280xf32>
    %broadcast_in_dim3A = arith.constant 1.000000e+00 : f32
    %broadcast_in_dim3A_4 = vector.broadcast %broadcast_in_dim3A : f32 to vector<32x128xf32>
    %dot_general3A = arith.constant dense<0.000000e+00> : vector<1280x128xf32>
    %dot_general3A_5 = tpu.matmul %get3A_3, %broadcast_in_dim3A_4, %dot_general3A {dimension_numbers = #tpu.dot_dimension_numbers<[0], [0], [1], [1], [0, 1, 1, 1], [], []>, transpose_lhs_hint = false} : vector<32x1280xf32>, vector<32x128xf32>, vector<1280x128xf32> -> vector<1280x128xf32>
    %max3A = arith.constant 1.000000e+00 : f32
    %max3A_6 = vector.broadcast %max3A : f32 to vector<1280x128xf32>
    %max3A_7 = arith.maximumf %dot_general3A_5, %max3A_6 : vector<1280x128xf32>
    %rsqrt3A = math.rsqrt %max3A_7 : vector<1280x128xf32>
    %get3A_8 = arith.constant 0 : index
    %get3A_9 = arith.constant 0 : index
    %get3A_10 = vector.load %arg1[%get3A_8, %get3A_9] : memref<1280x128xf32, #tpu.memory_space<vmem>>, vector<1280x128xf32>
    %mul3A = arith.mulf %get3A_10, %rsqrt3A : vector<1280x128xf32>
    %get3A_11 = arith.constant 0 : index
    %get3A_12 = arith.constant 0 : index
    %get3A_13 = vector.load %arg2[%get3A_11, %get3A_12] : memref<128x128xf32, #tpu.memory_space<vmem>>, vector<128x128xf32>
    %dot_general3A_14 = arith.constant dense<0.000000e+00> : vector<1280x128xf32>
    %dot_general3A_15 = tpu.matmul %mul3A, %get3A_13, %dot_general3A_14 {dimension_numbers = #tpu.dot_dimension_numbers<[1], [0], [0], [1], [0, 0, 1, 1], [], []>, transpose_lhs_hint = false} : vector<1280x128xf32>, vector<128x128xf32>, vector<1280x128xf32> -> vector<1280x128xf32>
    %convert_element_type3A = arith.truncf %dot_general3A_15 : vector<1280x128xf32> to vector<1280x128xbf16>
    %swap3A = arith.constant 0 : index
    %swap3A_16 = arith.constant 0 : index
    %swap3A_17 = vector.load %arg4[%swap3A, %swap3A_16] : memref<1280x128xbf16, #tpu.memory_space<vmem>>, vector<1280x128xbf16>
    tpu.vector_store %arg4[%swap3A, %swap3A_16], %convert_element_type3A {strides = array<i32>} : memref<1280x128xbf16, #tpu.memory_space<vmem>>, vector<1280x128xbf16>,
    return
  }
  func.func @transform_0(%arg0: i32) -> (i32, i32) {
    %c0_i32 = arith.constant 0 : i32
    %c0_i32_0 = arith.constant 0 : i32
    return %arg0, %c0_i32 : i32, i32
  }
  func.func @transform_1(%arg0: i32) -> (i32, i32) {
    %c0_i32 = arith.constant 0 : i32
    %c0_i32_0 = arith.constant 0 : i32
    %c0_i32_1 = arith.constant 0 : i32
    return %c0_i32, %c0_i32_0 : i32, i32
  }
  func.func @transform_2(%arg0: i32) -> (i32, i32, i32) {
    %c0_i32 = arith.constant 0 : i32
    %c0_i32_0 = arith.constant 0 : i32
    %c0_i32_1 = arith.constant 0 : i32
    return %c0_i32, %c0_i32_0, %arg0 : i32, i32, i32
  }
  func.func @transform_3(%arg0: i32) -> (i32, i32) {
    %c0_i32 = arith.constant 0 : i32
    %c0_i32_0 = arith.constant 0 : i32
    return %arg0, %c0_i32 : i32, i32
  }
}

module attributes {stable_mosaic.version = 14 : i64} {
  func.func @_l2_body(%arg0: i32, %arg1: memref<2x1280x128xbf16, #tpu.memory_space<vmem>>, %arg2: memref<2x32x1280xf32, #tpu.memory_space<vmem>>, %arg3: memref<1x128xf32, #tpu.memory_space<vmem>>, %arg4: memref<128x128xf32, #tpu.memory_space<vmem>>, %arg5: memref<1280x128xbf16, #tpu.memory_space<vmem>>) attributes {dimension_semantics = [#tpu.dimension_semantics<arbitrary>], iteration_bounds = array<i64: 8>, scalar_prefetch = 0 : i64, scratch_operands = 0 : i64, tpu.core_type = #tpu.core_type<tc>, window_params = [{transform_indices = @transform_0, window_bounds = array<i64: 2, 1280, 128>}, {transform_indices = @transform_1, window_bounds = array<i64: 2, 32, 1280>}, {pipeline_mode = #tpu.pipeline_mode<synchronous>, transform_indices = @transform_2, window_bounds = array<i64: 1, 128>}, {pipeline_mode = #tpu.pipeline_mode<synchronous>, transform_indices = @transform_3, window_bounds = array<i64: 128, 128>}, {transform_indices = @transform_4, window_bounds = array<i64: 1280, 128>}]} {
    %get3A = arith.constant 0 : index
    %get3A_0 = arith.constant 0 : index
    %get3A_1 = arith.constant 0 : index
    %get3A_2 = vector.load %arg1[%get3A, %get3A_0, %get3A_1] : memref<2x1280x128xbf16, #tpu.memory_space<vmem>>, vector<1x1280x128xbf16>
    %get3A_3 = vector.shape_cast %get3A_2 : vector<1x1280x128xbf16> to vector<1280x128xbf16>
    %convert_element_type3A = arith.extf %get3A_3 : vector<1280x128xbf16> to vector<1280x128xf32>
    %get3A_4 = arith.constant 1 : index
    %get3A_5 = arith.constant 0 : index
    %get3A_6 = arith.constant 0 : index
    %get3A_7 = vector.load %arg1[%get3A_4, %get3A_5, %get3A_6] : memref<2x1280x128xbf16, #tpu.memory_space<vmem>>, vector<1x1280x128xbf16>
    %get3A_8 = vector.shape_cast %get3A_7 : vector<1x1280x128xbf16> to vector<1280x128xbf16>
    %convert_element_type3A_9 = arith.extf %get3A_8 : vector<1280x128xbf16> to vector<1280x128xf32>
    %add3A = arith.addf %convert_element_type3A, %convert_element_type3A_9 : vector<1280x128xf32>
    %get3A_10 = arith.constant 1 : index
    %get3A_11 = arith.constant 0 : index
    %get3A_12 = arith.constant 0 : index
    %get3A_13 = vector.load %arg2[%get3A_10, %get3A_11, %get3A_12] : memref<2x32x1280xf32, #tpu.memory_space<vmem>>, vector<1x32x1280xf32>
    %get3A_14 = vector.shape_cast %get3A_13 : vector<1x32x1280xf32> to vector<32x1280xf32>
    %broadcast_in_dim3A = arith.constant 1.000000e+00 : f32
    %broadcast_in_dim3A_15 = vector.broadcast %broadcast_in_dim3A : f32 to vector<32x128xf32>
    %dot_general3A = arith.constant dense<0.000000e+00> : vector<1280x128xf32>
    %dot_general3A_16 = tpu.matmul %get3A_14, %broadcast_in_dim3A_15, %dot_general3A {dimension_numbers = #tpu.dot_dimension_numbers<[0], [0], [1], [1], [0, 1, 1, 1], [], []>, transpose_lhs_hint = false} : vector<32x1280xf32>, vector<32x128xf32>, vector<1280x128xf32> -> vector<1280x128xf32>
    %max3A = arith.constant 1.000000e+00 : f32
    %max3A_17 = vector.broadcast %max3A : f32 to vector<1280x128xf32>
    %max3A_18 = arith.maximumf %dot_general3A_16, %max3A_17 : vector<1280x128xf32>
    %rsqrt3A = math.rsqrt %max3A_18 : vector<1280x128xf32>
    %get3A_19 = arith.constant 0 : index
    %get3A_20 = arith.constant 0 : index
    %get3A_21 = arith.constant 0 : index
    %get3A_22 = vector.load %arg2[%get3A_19, %get3A_20, %get3A_21] : memref<2x32x1280xf32, #tpu.memory_space<vmem>>, vector<1x32x1280xf32>
    %get3A_23 = vector.shape_cast %get3A_22 : vector<1x32x1280xf32> to vector<32x1280xf32>
    %broadcast_in_dim3A_24 = arith.constant 1.000000e+00 : f32
    %broadcast_in_dim3A_25 = vector.broadcast %broadcast_in_dim3A_24 : f32 to vector<32x128xf32>
    %dot_general3A_26 = arith.constant dense<0.000000e+00> : vector<1280x128xf32>
    %dot_general3A_27 = tpu.matmul %get3A_23, %broadcast_in_dim3A_25, %dot_general3A_26 {dimension_numbers = #tpu.dot_dimension_numbers<[0], [0], [1], [1], [0, 1, 1, 1], [], []>, transpose_lhs_hint = false} : vector<32x1280xf32>, vector<32x128xf32>, vector<1280x128xf32> -> vector<1280x128xf32>
    %max3A_28 = arith.constant 1.000000e+00 : f32
    %max3A_29 = vector.broadcast %max3A_28 : f32 to vector<1280x128xf32>
    %max3A_30 = arith.maximumf %dot_general3A_27, %max3A_29 : vector<1280x128xf32>
    %rsqrt3A_31 = math.rsqrt %max3A_30 : vector<1280x128xf32>
    %mul3A = arith.mulf %add3A, %rsqrt3A : vector<1280x128xf32>
    %get3A_32 = arith.constant 0 : index
    %get3A_33 = arith.constant 0 : index
    %get3A_34 = vector.load %arg3[%get3A_32, %get3A_33] : memref<1x128xf32, #tpu.memory_space<vmem>>, vector<1x128xf32>
    %add3A_35 = vector.broadcast %get3A_34 : vector<1x128xf32> to vector<1280x128xf32>
    %add3A_36 = arith.addf %mul3A, %add3A_35 : vector<1280x128xf32>
    %max3A_37 = arith.constant 0.000000e+00 : f32
    %max3A_38 = vector.broadcast %max3A_37 : f32 to vector<1280x128xf32>
    %max3A_39 = arith.maximumf %add3A_36, %max3A_38 : vector<1280x128xf32>
    %mul3A_40 = arith.mulf %max3A_39, %rsqrt3A_31 : vector<1280x128xf32>
    %get3A_41 = arith.constant 0 : index
    %get3A_42 = arith.constant 0 : index
    %get3A_43 = vector.load %arg4[%get3A_41, %get3A_42] : memref<128x128xf32, #tpu.memory_space<vmem>>, vector<128x128xf32>
    %dot_general3A_44 = arith.constant dense<0.000000e+00> : vector<1280x128xf32>
    %dot_general3A_45 = tpu.matmul %mul3A_40, %get3A_43, %dot_general3A_44 {dimension_numbers = #tpu.dot_dimension_numbers<[1], [0], [0], [1], [0, 0, 1, 1], [], []>, transpose_lhs_hint = false} : vector<1280x128xf32>, vector<128x128xf32>, vector<1280x128xf32> -> vector<1280x128xf32>
    %convert_element_type3A_46 = arith.truncf %dot_general3A_45 : vector<1280x128xf32> to vector<1280x128xbf16>
    %swap3A = arith.constant 0 : index
    %swap3A_47 = arith.constant 0 : index
    %swap3A_48 = vector.load %arg5[%swap3A, %swap3A_47] : memref<1280x128xbf16, #tpu.memory_space<vmem>>, vector<1280x128xbf16>
    tpu.vector_store %arg5[%swap3A, %swap3A_47], %convert_element_type3A_46 {strides = array<i32>} : memref<1280x128xbf16, #tpu.memory_space<vmem>>, vector<1280x128xbf16>,
    return
  }
  func.func @transform_0(%arg0: i32) -> (i32, i32, i32) {
    %c0_i32 = arith.constant 0 : i32
    %c0_i32_0 = arith.constant 0 : i32
    %c0_i32_1 = arith.constant 0 : i32
    return %c0_i32, %arg0, %c0_i32_0 : i32, i32, i32
  }
  func.func @transform_1(%arg0: i32) -> (i32, i32, i32) {
    %c0_i32 = arith.constant 0 : i32
    %c0_i32_0 = arith.constant 0 : i32
    %c0_i32_1 = arith.constant 0 : i32
    return %c0_i32, %c0_i32_0, %arg0 : i32, i32, i32
  }
  func.func @transform_2(%arg0: i32) -> (i32, i32) {
    %c0_i32 = arith.constant 0 : i32
    %c0_i32_0 = arith.constant 0 : i32
    %c0_i32_1 = arith.constant 0 : i32
    return %c0_i32, %c0_i32_0 : i32, i32
  }
  func.func @transform_3(%arg0: i32) -> (i32, i32) {
    %c0_i32 = arith.constant 0 : i32
    %c0_i32_0 = arith.constant 0 : i32
    %c0_i32_1 = arith.constant 0 : i32
    return %c0_i32, %c0_i32_0 : i32, i32
  }
  func.func @transform_4(%arg0: i32) -> (i32, i32) {
    %c0_i32 = arith.constant 0 : i32
    %c0_i32_0 = arith.constant 0 : i32
    return %arg0, %c0_i32 : i32, i32
  }
}

module attributes {stable_mosaic.version = 14 : i64} {
  func.func @_fin_body(%arg0: i32, %arg1: memref<2x1280x128xbf16, #tpu.memory_space<vmem>>, %arg2: memref<1x32x1280xf32, #tpu.memory_space<vmem>>, %arg3: memref<1x128xf32, #tpu.memory_space<vmem>>, %arg4: memref<1x128xf32, #tpu.memory_space<vmem>>, %arg5: memref<1x128xf32, #tpu.memory_space<vmem>>, %arg6: memref<1xf32, #tpu.memory_space<smem>>) attributes {dimension_semantics = [#tpu.dimension_semantics<arbitrary>], iteration_bounds = array<i64: 8>, scalar_prefetch = 0 : i64, scratch_operands = 2 : i64, tpu.core_type = #tpu.core_type<tc>, window_params = [{transform_indices = @transform_0, window_bounds = array<i64: 2, 1280, 128>}, {transform_indices = @transform_1, window_bounds = array<i64: 1, 32, 1280>}, {pipeline_mode = #tpu.pipeline_mode<synchronous>, transform_indices = @transform_2, window_bounds = array<i64: 1, 128>}, {pipeline_mode = #tpu.pipeline_mode<synchronous>, transform_indices = @transform_3, window_bounds = array<i64: 1, 128>}]} {
    %eq3A = arith.constant 0 : i32
    %eq3A_0 = arith.cmpi eq, %arg0, %eq3A : i32
    %convert_element_type3A = arith.extui %eq3A_0 : i1 to i32
    %cond3A = arith.constant 0 : i32
    %cond3A_1 = arith.cmpi ne, %convert_element_type3A, %cond3A : i32
    scf.if %cond3A_1 {
      %broadcast_in_dim3A_60 = arith.constant 0.000000e+00 : f32
      %broadcast_in_dim3A_61 = vector.broadcast %broadcast_in_dim3A_60 : f32 to vector<1x128xf32>
      %swap3A_62 = arith.constant 0 : index
      %swap3A_63 = arith.constant 0 : index
      %swap3A_64 = vector.load %arg5[%swap3A_62, %swap3A_63] : memref<1x128xf32, #tpu.memory_space<vmem>>, vector<1x128xf32>
      tpu.vector_store %arg5[%swap3A_62, %swap3A_63], %broadcast_in_dim3A_61 {strides = array<i32>} : memref<1x128xf32, #tpu.memory_space<vmem>>, vector<1x128xf32>,
      %swap3A_65 = arith.constant 0.000000e+00 : f32
      %swap3A_66 = arith.constant 0 : index
      %swap3A_67 = memref.load %arg6[%swap3A_66] : memref<1xf32, #tpu.memory_space<smem>>
      memref.store %swap3A_65, %arg6[%swap3A_66] : memref<1xf32, #tpu.memory_space<smem>>
    } else {
    }
    %get3A = arith.constant 0 : index
    %get3A_2 = arith.constant 0 : index
    %get3A_3 = arith.constant 0 : index
    %get3A_4 = vector.load %arg1[%get3A, %get3A_2, %get3A_3] : memref<2x1280x128xbf16, #tpu.memory_space<vmem>>, vector<1x1280x128xbf16>
    %get3A_5 = vector.shape_cast %get3A_4 : vector<1x1280x128xbf16> to vector<1280x128xbf16>
    %convert_element_type3A_6 = arith.extf %get3A_5 : vector<1280x128xbf16> to vector<1280x128xf32>
    %get3A_7 = arith.constant 1 : index
    %get3A_8 = arith.constant 0 : index
    %get3A_9 = arith.constant 0 : index
    %get3A_10 = vector.load %arg1[%get3A_7, %get3A_8, %get3A_9] : memref<2x1280x128xbf16, #tpu.memory_space<vmem>>, vector<1x1280x128xbf16>
    %get3A_11 = vector.shape_cast %get3A_10 : vector<1x1280x128xbf16> to vector<1280x128xbf16>
    %convert_element_type3A_12 = arith.extf %get3A_11 : vector<1280x128xbf16> to vector<1280x128xf32>
    %add3A = arith.addf %convert_element_type3A_6, %convert_element_type3A_12 : vector<1280x128xf32>
    %get3A_13 = arith.constant 0 : index
    %get3A_14 = arith.constant 0 : index
    %get3A_15 = arith.constant 0 : index
    %get3A_16 = vector.load %arg2[%get3A_13, %get3A_14, %get3A_15] : memref<1x32x1280xf32, #tpu.memory_space<vmem>>, vector<1x32x1280xf32>
    %get3A_17 = vector.shape_cast %get3A_16 : vector<1x32x1280xf32> to vector<32x1280xf32>
    %broadcast_in_dim3A = arith.constant 1.000000e+00 : f32
    %broadcast_in_dim3A_18 = vector.broadcast %broadcast_in_dim3A : f32 to vector<32x128xf32>
    %dot_general3A = arith.constant dense<0.000000e+00> : vector<1280x128xf32>
    %dot_general3A_19 = tpu.matmul %get3A_17, %broadcast_in_dim3A_18, %dot_general3A {dimension_numbers = #tpu.dot_dimension_numbers<[0], [0], [1], [1], [0, 1, 1, 1], [], []>, transpose_lhs_hint = false} : vector<32x1280xf32>, vector<32x128xf32>, vector<1280x128xf32> -> vector<1280x128xf32>
    %max3A = arith.constant 1.000000e+00 : f32
    %max3A_20 = vector.broadcast %max3A : f32 to vector<1280x128xf32>
    %max3A_21 = arith.maximumf %dot_general3A_19, %max3A_20 : vector<1280x128xf32>
    %rsqrt3A = math.rsqrt %max3A_21 : vector<1280x128xf32>
    %mul3A = arith.mulf %add3A, %rsqrt3A : vector<1280x128xf32>
    %get3A_22 = arith.constant 0 : index
    %get3A_23 = arith.constant 0 : index
    %get3A_24 = vector.load %arg3[%get3A_22, %get3A_23] : memref<1x128xf32, #tpu.memory_space<vmem>>, vector<1x128xf32>
    %add3A_25 = vector.broadcast %get3A_24 : vector<1x128xf32> to vector<1280x128xf32>
    %add3A_26 = arith.addf %mul3A, %add3A_25 : vector<1280x128xf32>
    %iota3A = tpu.iota {dimensions = array<i32: 0>} : vector<1280x128xi32>
    %mul3A_27 = arith.constant 1280 : i32
    %mul3A_28 = arith.muli %arg0, %mul3A_27 : i32
    %add3A_29 = vector.broadcast %mul3A_28 : i32 to vector<1280x128xi32>
    %add3A_30 = arith.addi %iota3A, %add3A_29 : vector<1280x128xi32>
    %lt3A = arith.constant 10000 : i32
    %lt3A_31 = vector.broadcast %lt3A : i32 to vector<1280x128xi32>
    %lt3A_32 = arith.cmpi slt, %add3A_30, %lt3A_31 : vector<1280x128xi32>
    %jit3A = arith.constant 0.000000e+00 : f32
    %broadcast_in_dim3A_33 = vector.broadcast %jit3A : f32 to vector<1280x128xf32>
    %select_n3A = arith.select %lt3A_32, %add3A_26, %broadcast_in_dim3A_33 : vector<1280x128xi1>, vector<1280x128xf32>
    %get3A_34 = arith.constant 0 : index
    %get3A_35 = arith.constant 0 : index
    %get3A_36 = vector.load %arg5[%get3A_34, %get3A_35] : memref<1x128xf32, #tpu.memory_space<vmem>>, vector<1x128xf32>
    %reduce_sum3A = arith.constant dense<0.000000e+00> : vector<128xf32>
    %reduce_sum3A_37 = vector.multi_reduction <add>, %select_n3A, %reduce_sum3A [0] : vector<1280x128xf32> to vector<128xf32>
    %broadcast_in_dim3A_38 = vector.shape_cast %reduce_sum3A_37 : vector<128xf32> to vector<1x128xf32>
    %add3A_39 = arith.addf %get3A_36, %broadcast_in_dim3A_38 : vector<1x128xf32>
    %swap3A = arith.constant 0 : index
    %swap3A_40 = arith.constant 0 : index
    %swap3A_41 = vector.load %arg5[%swap3A, %swap3A_40] : memref<1x128xf32, #tpu.memory_space<vmem>>, vector<1x128xf32>
    tpu.vector_store %arg5[%swap3A, %swap3A_40], %add3A_39 {strides = array<i32>} : memref<1x128xf32, #tpu.memory_space<vmem>>, vector<1x128xf32>,
    %get3A_42 = arith.constant 0 : index
    %get3A_43 = memref.load %arg6[%get3A_42] : memref<1xf32, #tpu.memory_space<smem>>
    %mul3A_44 = arith.mulf %select_n3A, %select_n3A : vector<1280x128xf32>
    %reduce_sum3A_45 = arith.constant dense<0.000000e+00> : vector<1280xf32>
    %reduce_sum3A_46 = vector.multi_reduction <add>, %mul3A_44, %reduce_sum3A_45 [1] : vector<1280x128xf32> to vector<1280xf32>
    %sqrt3A = math.sqrt %reduce_sum3A_46 : vector<1280xf32>
    %reduce_sum3A_47 = vector.shape_cast %sqrt3A : vector<1280xf32> to vector<1x1280xf32>
    %reduce_sum3A_48 = arith.constant dense<0.000000e+00> : vector<1xf32>
    %reduce_sum3A_49 = vector.multi_reduction <add>, %reduce_sum3A_47, %reduce_sum3A_48 [1] : vector<1x1280xf32> to vector<1xf32>
    %reduce_sum3A_50 = vector.shape_cast %reduce_sum3A_49 : vector<1xf32> to vector<1x1xf32>
    %reduce_sum3A_51 = vector.extract %reduce_sum3A_50[0, 0] : f32 from vector<1x1xf32>
    %add3A_52 = arith.addf %get3A_43, %reduce_sum3A_51 : f32
    %swap3A_53 = arith.constant 0 : index
    %swap3A_54 = memref.load %arg6[%swap3A_53] : memref<1xf32, #tpu.memory_space<smem>>
    memref.store %add3A_52, %arg6[%swap3A_53] : memref<1xf32, #tpu.memory_space<smem>>
    %eq3A_55 = arith.constant 7 : i32
    %eq3A_56 = arith.cmpi eq, %arg0, %eq3A_55 : i32
    %convert_element_type3A_57 = arith.extui %eq3A_56 : i1 to i32
    %cond3A_58 = arith.constant 0 : i32
    %cond3A_59 = arith.cmpi ne, %convert_element_type3A_57, %cond3A_58 : i32
    scf.if %cond3A_59 {
      %sqrt3A_60 = arith.constant 1.280000e+02 : f32
      %sqrt3A_61 = math.sqrt %sqrt3A_60 : f32
      %get3A_62 = arith.constant 0 : index
      %get3A_63 = memref.load %arg6[%get3A_62] : memref<1xf32, #tpu.memory_space<smem>>
      %div3A = arith.constant 1.000000e+04 : f32
      %div3A_64 = arith.divf %div3A, %get3A_63 : f32
      %mul3A_65 = arith.mulf %sqrt3A_61, %div3A_64 : f32
      %get3A_66 = arith.constant 0 : index
      %get3A_67 = arith.constant 0 : index
      %get3A_68 = vector.load %arg5[%get3A_66, %get3A_67] : memref<1x128xf32, #tpu.memory_space<vmem>>, vector<1x128xf32>
      %mul3A_69 = vector.broadcast %mul3A_65 : f32 to vector<1x128xf32>
      %mul3A_70 = arith.mulf %get3A_68, %mul3A_69 : vector<1x128xf32>
      %swap3A_71 = arith.constant 0 : index
      %swap3A_72 = arith.constant 0 : index
      %swap3A_73 = vector.load %arg4[%swap3A_71, %swap3A_72] : memref<1x128xf32, #tpu.memory_space<vmem>>, vector<1x128xf32>
      tpu.vector_store %arg4[%swap3A_71, %swap3A_72], %mul3A_70 {strides = array<i32>} : memref<1x128xf32, #tpu.memory_space<vmem>>, vector<1x128xf32>,
    } else {
    }
    return
  }
  func.func @transform_0(%arg0: i32) -> (i32, i32, i32) {
    %c0_i32 = arith.constant 0 : i32
    %c0_i32_0 = arith.constant 0 : i32
    %c0_i32_1 = arith.constant 0 : i32
    return %c0_i32, %arg0, %c0_i32_0 : i32, i32, i32
  }
  func.func @transform_1(%arg0: i32) -> (i32, i32, i32) {
    %c1_i32 = arith.constant 1 : i32
    %c0_i32 = arith.constant 0 : i32
    %c0_i32_0 = arith.constant 0 : i32
    return %c1_i32, %c0_i32, %arg0 : i32, i32, i32
  }
  func.func @transform_2(%arg0: i32) -> (i32, i32) {
    %c0_i32 = arith.constant 0 : i32
    %c0_i32_0 = arith.constant 0 : i32
    %c0_i32_1 = arith.constant 0 : i32
    return %c0_i32, %c0_i32_0 : i32, i32
  }
  func.func @transform_3(%arg0: i32) -> (i32, i32) {
    %c0_i32 = arith.constant 0 : i32
    %c0_i32_0 = arith.constant 0 : i32
    %c0_i32_1 = arith.constant 0 : i32
    return %c0_i32, %c0_i32_0 : i32, i32
  }
}

</mosaic_0001>

<sc_bundles>
// kernel: kernel.11.cloned.1.call-start
scs
__scs_entry_jumppad:
0x0: {  	(pc) =	sbr.rel $0x88, $3  }
0x1: {  	(tag) =	ssettag $0x0;
	lr =	simm.s32 $0x1  }
0x2: {  	[smem:$0x3F9B] =	sst lr;
	_ =	strace $0xD0000000  }
0x3: {  	_ = 	snop  }
0x4: {  	_ = 	snop  }
0x5: {  	_ = 	snop  }
0x6: {  	_ = 	snop  }
0x7: {  	_ = 	snop  }
__scs_overlays_trampoline_lowered:
0x8: {  	[smem:$0x3FAA] =	sst s0  }
0x9: {  	[smem:$0x3FAB] =	sst s1  }
0xa: {  	[smem:$0x3FAC] =	sst s2  }
0xb: {  	[smem:$0x3FAD] =	sst s3  }
0xc: {  	[smem:$0x3FAE] =	sst s4  }
0xd: {  	[smem:$0x3FAF] =	sst s5  }
0xe: {  	[smem:$0x3FB0] =	sst s6  }
0xf: {  	[smem:$0x3FB1] =	sst s7  }
0x10: {  	[smem:$0x3FB2] =	sst s8  }
0x11: {  	[smem:$0x3FB3] =	sst s9;
	s0 =	simm.s32 @!p0 $0x0  }
0x12: {  	s1 =	sld [smem:$0x3F99];
	s0 =	simm.s32 @p0 $0x1  }
0x13: {  	[smem:$0x3FB4] =	sst s0;
	s0 =	simm.s32 @!p1 $0x0  }
0x14: {  	s2 =	sld [smem:$0x3F98];
	s0 =	simm.s32 @p1 $0x1  }
0x15: {  	[smem:$0x3FB5] =	sst s0;
	s0 =	simm.s32 @!p2 $0x0  }
0x16: {  	s3 =	sld [smem:$0x3FDB];
	s0 =	simm.s32 @p2 $0x1  }
0x17: {  	s4 =	simm.s32 $0x1BF5;
	[smem:$0x3FB7] =	sst s0  }
0x18: {  	s0 =	sld [smem:$0x3F9A];
	_ =	swait.ge [sflag:s4], $0x0  }
0x19: {  	s7 =	sld [smem:$0x3F9B]  }
0x1a: {  	s8 =	sadd.s32 $0xFFFFE003, lr  }
0x1b: {  	s9 =	sadd.s32 $0xFFFFFEF7, lr;
	s5 =	simm.s32 $0xFFFFFFFF;
	p2 =	slt.u32 s8, $0xFFFFF086  }
0x1c: {  	p1 =	slt.u32 s9, $0xF7A;
	s5 =	simm.s32 @!p2 $0x0  }
0x1d: {  	s5 =	simm.s32 @p1 $0x1;
	p0 =	seq.s32 s7, s2  }
0x1e: {  	s7 =	smul.u32 @!p0 $0xF7A, s2;
	p2 =	seq.s32 @!p0 s5, $0x0  }
0x1f: {  	s9 =	smul.u32 $0xF7A, s1;
	s8 =	simm.s32 @!p0 $0x1BF5;
	p2 =	por !p2, p0  }
0x20: {  	[sflag:s8] =	ssyncset.s32 @!p0 $0xFFFFF086;
	s6 =	sadd.s32 @!p0 s3, s7;
	s7 =	simm.s32 @!p0 $0x108  }
0x21: {  	s3 =	sadd.s32 s3, s9;
	s6 =	sadd.s32 @!p0 $0x88, s6;
	s7 =	simm.s32 @p2 $0x1082  }
0x22: {  	[simem:s7], [sflag:s8] =	dma.local @!p0 [hbm:s6], $0xF7A  }
0x23: {  	s9 =	sor.u32 $0xD0000000, s2;
	s6 =	simm.s32 $0x108;
	_ =	swait.ge @!p0 [sflag:s8], $0x0  }
0x24: {  	s3 =	sadd.s32 $0x88, s3;
	s6 =	simm.s32 @!p1 $0x1082;
	[sflag:s4] =	ssyncset.s32 $0xFFFFF086  }
0x25: {  	[simem:s6], [sflag:s4] =	dma.local [hbm:s3], $0xF7A  }
0x26: {  	[smem:$0x3F9B] =	sst s1;
	(tag) =	ssettag s2;
	_ =	strace s9  }
0x27: {  	s1 =	sld [smem:$0x3FAB]  }
0x28: {  	s2 =	sld [smem:$0x3FAC]  }
0x29: {  	s4 =	sld [smem:$0x3FAE]  }
0x2a: {  	p0 =	seq.s32 s5, $0x0;
	s5 =	sld [smem:$0x3FAF]  }
0x2b: {  	s6 =	sld [smem:$0x3FB0]  }
0x2c: {  	s7 =	sld [smem:$0x3FB1]  }
0x2d: {  	s3 =	simm.s32 $0x108;
	s8 =	sld [smem:$0x3FB2]  }
0x2e: {  	s3 =	simm.s32 @!p0 $0x1082;
	s9 =	sld [smem:$0x3FB3]  }
0x2f: {  	lr =	sadd.s32 s0, s3;
	s0 =	sld [smem:$0x3FAA]  }
0x30: {  	s3 =	sld [smem:$0x3FAD]  }
0x31: {  	[smem:$0x3FB6] =	sst s10  }
0x32: {  	s10 =	sld [smem:$0x3FB4];
	_ =	sdelay $0x3  }
0x33: {  	p0 =	seq.s32 s10, $0x1;
	s10 =	sld [smem:$0x3FB6];
	_ =	sdelay $0x3  }
0x34: {  	[smem:$0x3FB6] =	sst s10  }
0x35: {  	s10 =	sld [smem:$0x3FB5];
	_ =	sdelay $0x3  }
0x36: {  	p1 =	seq.s32 s10, $0x1;
	s10 =	sld [smem:$0x3FB6];
	_ =	sdelay $0x3  }
0x37: {  	[smem:$0x3FB6] =	sst s10  }
0x38: {  	s10 =	sld [smem:$0x3FB7]  }
0x39: {  	_ = 	snop;
	(pc) =	sbr.ind lr, $3  }
0x3a: {  	_ = 	snop  }
0x3b: {  	_ = 	snop  }
0x3c: {  	p2 =	seq.s32 s10, $0x1;
	s10 =	sld [smem:$0x3FB6]  }
0x3d: {  	_ =	shalt  }
0x3e: {  	_ =	shalt  }
0x3f: {  	_ =	shalt  }
0x40: {  	_ =	shalt  }
0x41: {  	_ =	shalt  }
0x42: {  	_ =	shalt  }
0x43: {  	_ =	shalt  }
0x44: {  	_ =	shalt  }
0x45: {  	_ =	shalt  }
0x46: {  	_ =	shalt  }
0x47: {  	_ =	shalt  }
0x48: {  	_ =	shalt  }
0x49: {  	_ =	shalt  }
0x4a: {  	_ =	shalt  }
0x4b: {  	_ =	shalt  }
0x4c: {  	_ =	shalt  }
0x4d: {  	_ =	shalt  }
0x4e: {  	_ =	shalt  }
0x4f: {  	_ =	shalt  }
0x50: {  	_ =	shalt  }
0x51: {  	_ =	shalt  }
0x52: {  	_ =	shalt  }
0x53: {  	_ =	shalt  }
0x54: {  	_ =	shalt  }
0x55: {  	_ =	shalt  }
0x56: {  	_ =	shalt  }
0x57: {  	_ =	shalt  }
0x58: {  	_ =	shalt  }
0x59: {  	_ =	shalt  }
0x5a: {  	_ =	shalt  }
0x5b: {  	_ =	shalt  }
0x5c: {  	_ =	shalt  }
0x5d: {  	_ =	shalt  }
0x5e: {  	_ =	shalt  }
0x5f: {  	_ =	shalt  }
0x60: {  	_ =	shalt  }
0x61: {  	_ =	shalt  }
0x62: {  	_ =	shalt  }
0x63: {  	_ =	shalt  }
0x64: {  	_ =	shalt  }
0x65: {  	_ =	shalt  }
0x66: {  	_ =	shalt  }
0x67: {  	_ =	shalt  }
0x68: {  	_ =	shalt  }
0x69: {  	_ =	shalt  }
0x6a: {  	_ =	shalt  }
0x6b: {  	_ =	shalt  }
0x6c: {  	_ =	shalt  }
0x6d: {  	_ =	shalt  }
0x6e: {  	_ =	shalt  }
0x6f: {  	_ =	shalt  }
0x70: {  	_ =	shalt  }
0x71: {  	_ =	shalt  }
0x72: {  	_ =	shalt  }
0x73: {  	_ =	shalt  }
0x74: {  	_ =	shalt  }
0x75: {  	_ =	shalt  }
0x76: {  	_ =	shalt  }
0x77: {  	_ =	shalt  }
0x78: {  	_ =	shalt  }
0x79: {  	_ =	shalt  }
0x7a: {  	_ =	shalt  }
0x7b: {  	_ =	shalt  }
0x7c: {  	_ =	shalt  }
0x7d: {  	_ =	shalt  }
0x7e: {  	_ =	shalt  }
0x7f: {  	_ =	shalt  }
0x80: {  	_ =	shalt  }
0x81: {  	_ =	shalt  }
0x82: {  	_ =	shalt  }
0x83: {  	_ =	shalt  }
0x84: {  	_ =	shalt  }
0x85: {  	_ =	shalt  }
0x86: {  	_ =	shalt  }
0x87: {  	_ =	shalt  }
.Lfunc_end0:
.L_simem_size_0:
called_computation.1_lowered:
.L_overlay_start_0:
0x88: {  	s2 =	sld [smem:$0x3FD9]  }
0x89: {  	s3 =	sld [smem:$0x3FFE];
	_ =	sdelay $0x1  }
0x8a: {  	s1 =	srdreg.scid  }
0x8b: {  	s0 =	sand.u32 $0x1, s1  }
0x8c: {  	s16 =	sshll.u32 s0, $0xA;
	s2 =	sadd.s32 s3, s2  }
0x8d: {  	s2 =	sadd.s32 s2, s16  }
0x8e: {  	[smem:$0x3FC2] =	sst s2  }
0x8f: {  	_ = 	snop  }
0x90: {  	(tm) =	ssettm $0x1  }
0x91: {  	s17 =	sld [smem:$0x3FFB];
	_ =	sdelay $0x3  }
0x92: {  	_ =	strace s17  }
0x93: {  	s2 =	sld [smem:$0x3FFC];
	_ =	sdelay $0x3  }
0x94: {  	_ =	strace s2  }
0x95: {  	s2 =	sld [smem:$0x3FFD];
	_ =	sdelay $0x3  }
0x96: {  	_ =	strace s2  }
0x97: {  	_ =	strace $0x8FFFFFFF  }
0x98: {  	s18 =	sld [smem:$0x3FDB];
	_ =	sdelay $0x1  }
0x99: {  	s19 =	simm.s32 $_scs_section_size  }
0x9a: {  	s4 =	simm.s32 $_size__tile_overlayer_lowered;
	s5 =	simm.s32 $_tile_overlayer_lowered  }
0x9b: {  	s22 =	simm.s32 $0x1BFF;
	s21 =	sshll.u32 s5, $0x1;
	s2 =	sadd.s32 s19, s18  }
0x9c: {  	s6 =	simm.s32 $0x0;
	s20 =	sshll.u32 s4, $0x1;
	s4 =	sadd.s32 s21, s2  }
0x9d: {  	[timem:s6], [sflag:s22] =	dma.local [hbm:s4], s20  }
0x9e: {  	_ =	swait.ge [sflag:s22], s20  }
0x9f: {  	s3 =	ssub.s32 $0x0, s20;
	[sflag:s22] =	ssyncset.done $0x0  }
0xa0: {  	[sflag:s22] =	ssyncadd.s32 s3;
	_ =	sdelay $0x1  }
0xa1: {  	s23 =	simm.s32 $0x1B8B  }
0xa2: {  	_ =	swait.ge [sflag:s23], $0x1  }
0xa3: {  	[sflag:s23] =	ssyncset.done $0x0  }
0xa4: {  	s25 =	simm.s32 $0x1B8E;
	s24 =	sld [smem:$0x3FFE];
	[sflag:s23] =	ssyncadd.s32 $0xFFFFFFFF  }
0xa5: {  	s26 =	simm.s32 $execute0_lowered;
	[smem:$0x3FD2] =	sst s25  }
0xa6: {  	s4 =	sshll.u32 s26, $0x1;
	_ =	strace $0x80000049;
	[dreg:$0x1] =	wrdreg $0xFFFFFFFF  }
0xa7: {  	s28 =	simm.s32 $_size_execute0_lowered;
	s2 =	sadd.s32 s2, s4;
	[dreg:$0x0] =	wrdreg $0x0  }
0xa8: {  	s4 =	sshll.u32 s28, $0x1;
	[dreg:$0x2] =	wrdreg s2  }
0xa9: {  	[dreg:$0x3] =	wrdreg s4  }
0xaa: {  	[dreg:$0x4] =	wrdreg $0xC0  }
0xab: {  	_ =	task [dreg:s6], $0x5FFFF  }
0xac: {  	[dreg:$0x1] =	wrdreg $0xFFFFFFFF  }
0xad: {  	[dreg:$0x0] =	wrdreg $0x60  }
0xae: {  	[dreg:$0x2] =	wrdreg s24  }
0xaf: {  	[dreg:$0x3] =	wrdreg $0x90000  }
0xb0: {  	[dreg:$0x4] =	wrdreg $0x9  }
0xb1: {  	_ =	task.clear_ibuf [dreg:s6], $0x5FFFF;
	_ =	strace $0x90000049  }
0xb2: {  	s29 =	simm.s32 $0x9;
	_ =	strace $0x8000004B  }
0xb3: {  	_ =	swait.ge [sflag:s29], $0x1  }
0xb4: {  	[sflag:s29] =	ssyncadd.s32 $0xFFFFFFFF  }
0xb5: {  	_ =	strace $0x9000004B  }
0xb6: {  	_ =	sfence  }
0xb7: {  	s30 =	sld [smem:$0x0];
	_ =	sdelay $0x2  }
0xb8: {  	s31 =	sshll.u32 s1, $0xD;
	s1 =	sshrl.u32 s1, $0x2  }
0xb9: {  	s3 =	sand.u32 $0x4000, s31;
	s1 =	sadd.s32 s1, s30  }
0xba: {  	s0 =	sor.u32 s3, s0;
	s1 =	sshll.u32 s1, $0x11  }
0xbb: {  	s0 =	sor.u32 s1, s0  }
0xbc: {  	s0 =	sadd.s32 $0x8F2B, s0  }
0xbd: {  	[sflag:s0] =	ssyncadd.remote.s32 $0x1  }
0xbe: {  	_ =	sfence.sel $0xFFFF  }
0xbf: {  	[dreg:$0x0] =	wrdreg $0xFFFFFFFF;
	(pc) =	sbr.abs _section_cstart, $3  }
0xc0: {  	[dreg:$0x1] =	wrdreg $0xFFFFFFFF  }
0xc1: {  	_ =	task.clear_ibuf [dreg:s6], $0x2FFFF;
	_ =	strace $0x9FFFFFFF  }
0xc2: {  	(tm) =	ssettm $0x7FFFFFFF  }
0xc3: {  	_ =	shalt  }
tec
execute0_lowered:
.L_overlay_start_1:
0x0: {  	(tag) =	ssettag $0x1  }
0x1: {  	s1 =	srdreg.scid;
	s6 =	rddreg [dreg:$0x0]  }
0x2: {  	s0 =	stileid.u32;
	s2 =	rddreg [dreg:$0x1];
	s3 =	simm.s32 $0x0  }
0x3: {  	s18 =	simm.s32 $0x80;
	s19 =	simm.s32 $0x5000;
	s20 =	simm.s32 $0x7000  }
0x4: {  	s21 =	simm.s32 $0x1;
	s22 =	simm.s32 $0x2;
	s23 =	simm.s32 $0x4F00  }
0x5: {  	s24 =	simm.s32 $0x4F80;
	s25 =	simm.s32 $0x0;
	s5 =	sand.u32 $0x1, s1  }
0x6: {  	s30 =	sshll.u32 s0, $0x1;
	s8 =	smul.u32 $0x14000, s0;
	[smem:$0x7FF] =	sst s3  }
0x7: {  	s4 =	sadd.s32 $0x15C00, s6;
	s11 =	smul.u32 $0x28000, s0;
	s12 =	sshll.u32 s0, $0x6  }
0x8: {  	s1 =	sor.u32 s5, s30;
	s9 =	smul.u32 $0x140000, s5;
	s10 =	ssub.s32 $0x2, s5  }
0x9: {  	s5 =	sadd.s32 $0x3E200, s6;
	s12 =	sor.u32 $0x1C03, s12;
	s7 =	smul.u32 $0x500, s1  }
0xa: {  	s1 =	rddreg [dreg:$0x2];
	_ =	strace $0x8000004A;
	s31 =	sshrl.u32 s10, $0x1  }
0xb: {  	s11 =	sshrl.u32 s11, $0x2;
	s9 =	sadd.s32 s8, s9;
	s10 =	ssub.s32 s10, s31  }
0xc: {  	s8 =	sshrl.u32 s8, $0x1;
	s11 =	sadd.s32 s11, s2;
	s7 =	sadd.s32 s7, s6  }
0xd: {  	s9 =	sshrl.u32 s9, $0x4;
	s13 =	sadd.s32 s8, s2;
	s14 =	sadd.s32 $0x2000, s11  }
0xe: {  	s15 =	sadd.s32 $0x4000, s11;
	s16 =	sadd.s32 $0x6000, s11;
	s17 =	sadd.s32 $0x8000, s11  }
0xf: {  	s11 =	simm.s32 $0x2800;
	s9 =	sadd.s32 s9, s6;
	s6 =	sadd.s32 $0xBC00, s7  }
0x10: {  	s7 =	sadd.s32 $0x1C00, s7;
	s13 =	sshrl.u32 s13, $0x3;
	s14 =	sshrl.u32 s14, $0x3  }
0x11: {  	s15 =	sshrl.u32 s15, $0x3;
	s16 =	sshrl.u32 s16, $0x3;
	s17 =	sshrl.u32 s17, $0x3  }
0x12: {  	s8 =	sadd.s32 $0x3E600, s9;
	s9 =	smax.u32 s10, $0x1;
	s10 =	simm.s32 $0x3  }
.LBB2_1:
0x13: {  	[tilespmem:s3], [sflag:$0x3] =	stream.linear.gather [hbm4b:s6+s3], $0x2800, $0x38;
	[tilespmem:$0x13000] =	vst v63  }
0x14: {  	_ =	swait.ge [sflag:s10], $0x2800  }
0x15: {  	[sflag:s10] =	ssyncset.done $0x0  }
0x16: {  	[sflag:s10] =	ssyncadd.s32 $0xFFFFD800  }
0x17: {  	[tilespmem:s11], [sflag:$0x3] =	stream.linear.gather [hbm4b:s7+s3], $0x2800, $0x38;
	[tilespmem:$0x13000] =	vst v63  }
0x18: {  	_ =	swait.ge [sflag:s10], $0x2800  }
0x19: {  	[sflag:s10] =	ssyncset.done $0x0  }
0x1a: {  	[sflag:s10] =	ssyncadd.s32 $0xFFFFD800  }
0x1b: {  	[spmem:s13], [sflag:s12] =	dma.local [hbm:s5], $0x400  }
0x1c: {  	_ =	swait.ge [sflag:s10], $0x400  }
0x1d: {  	[sflag:s10] =	ssyncset.done $0x0  }
0x1e: {  	[sflag:s10] =	ssyncadd.s32 $0xFFFFFC00  }
0x1f: {  	[spmem:s14], [sflag:s12] =	dma.local [hbm:s5], $0x400  }
0x20: {  	_ =	swait.ge [sflag:s10], $0x400  }
0x21: {  	[sflag:s10] =	ssyncset.done $0x0  }
0x22: {  	[sflag:s10] =	ssyncadd.s32 $0xFFFFFC00  }
0x23: {  	[spmem:s15], [sflag:s12] =	dma.local [hbm:s5], $0x400  }
0x24: {  	_ =	swait.ge [sflag:s10], $0x400  }
0x25: {  	[sflag:s10] =	ssyncset.done $0x0  }
0x26: {  	[sflag:s10] =	ssyncadd.s32 $0xFFFFFC00  }
0x27: {  	[spmem:s16], [sflag:s12] =	dma.local [hbm:s5], $0x400  }
0x28: {  	_ =	swait.ge [sflag:s10], $0x400  }
0x29: {  	[sflag:s10] =	ssyncset.done $0x0  }
0x2a: {  	[sflag:s10] =	ssyncadd.s32 $0xFFFFFC00  }
0x2b: {  	[spmem:s17], [sflag:s12] =	dma.local [hbm:s5], $0x400  }
0x2c: {  	_ =	swait.ge [sflag:s10], $0x400  }
0x2d: {  	[sflag:s10] =	ssyncset.done $0x0  }
0x2e: {  	[sflag:s10] =	ssyncadd.s32 $0xFFFFFC00  }
0x2f: {  	[bflag:$0x0] =	sbarrier.arrive $0xFFFF  }
0x30: {  	[tilespmem:s19], [sflag:$0x1] =	stream.indirect.gather [hbm4b:s4+s18], $0x40, s3, s18, $0xb8;
	[tilespmem:$0x13000] =	vst v63  }
0x31: {  	_ = 	snop  }
0x32: {  	[tilespmem:s20], [sflag:$0x2] =	stream.indirect.gather [hbm4b:s4+s18], $0x40, s18, s18, $0xb8;
	[tilespmem:$0x13000] =	vst v63  }
0x33: {  	_ =	swait.ge [sflag:s21], $0x2000  }
0x34: {  	[sflag:s21] =	ssyncset.done $0x0  }
0x35: {  	s26 =	simm.s32 $0x2800;
	[sflag:s21] =	ssyncadd.s32 $0xFFFFE000  }
0x36: {  	[spmem:s2] =	stream.indirect.scatter.add.bf16 [tilespmem:s19], [sflag:$0x3], $0x40, s26, s18, $0xb8;
	[tilespmem:$0x13000] =	vst v63  }
0x37: {  	_ =	swait.ge [sflag:s10], $0x2000  }
0x38: {  	[sflag:s10] =	ssyncset.done $0x0  }
0x39: {  	s30 =	simm.s32 $0x100;
	[sflag:s10] =	ssyncadd.s32 $0xFFFFE000  }
0x3a: {  	[tilespmem:s19], [sflag:$0x1] =	stream.indirect.gather [hbm4b:s4+s18], $0x40, s30, s18, $0xb8;
	[tilespmem:$0x13000] =	vst v63  }
0x3b: {  	_ =	swait.ge [sflag:s22], $0x2000  }
0x3c: {  	[sflag:s22] =	ssyncset.done $0x0  }
0x3d: {  	s31 =	simm.s32 $0x2880;
	[sflag:s22] =	ssyncadd.s32 $0xFFFFE000  }
0x3e: {  	[spmem:s2] =	stream.indirect.scatter.add.bf16 [tilespmem:s20], [sflag:$0x3], $0x40, s31, s18, $0xb8;
	[tilespmem:$0x13000] =	vst v63  }
0x3f: {  	_ =	swait.ge [sflag:s10], $0x2000  }
0x40: {  	[sflag:s10] =	ssyncset.done $0x0  }
0x41: {  	s28 =	simm.s32 $0x180;
	s26 =	simm.s32 $0x400;
	[sflag:s10] =	ssyncadd.s32 $0xFFFFE000  }
.LBB2_2:
0x42: {  	[tilespmem:s20], [sflag:$0x2] =	stream.indirect.gather [hbm4b:s4+s18], $0x40, s28, s18, $0xb8;
	[tilespmem:$0x13000] =	vst v63  }
0x43: {  	s28 =	smov.u32 s26  }
0x44: {  	p0 =	sne.s32 s26, $0x9800;
	s26 =	sadd.s32 $0x400, s26;
	_ =	swait.ge [sflag:s21], $0x2000  }
0x45: {  	s28 =	sshra.s32 s28, $0x2;
	[sflag:s21] =	ssyncset.done $0x0  }
0x46: {  	s29 =	sadd.s32 $0x2800, s28;
	[sflag:s21] =	ssyncadd.s32 $0xFFFFE000  }
0x47: {  	[spmem:s2] =	stream.indirect.scatter.add.bf16 [tilespmem:s19], [sflag:$0x3], $0x40, s29, s18, $0xb8;
	[tilespmem:$0x13000] =	vst v63  }
0x48: {  	_ =	swait.ge [sflag:s10], $0x2000  }
0x49: {  	[sflag:s10] =	ssyncset.done $0x0  }
0x4a: {  	s29 =	sadd.s32 $0x100, s28;
	[sflag:s10] =	ssyncadd.s32 $0xFFFFE000  }
0x4b: {  	[tilespmem:s19], [sflag:$0x1] =	stream.indirect.gather [hbm4b:s4+s18], $0x40, s29, s18, $0xb8;
	[tilespmem:$0x13000] =	vst v63  }
0x4c: {  	_ =	swait.ge [sflag:s22], $0x2000  }
0x4d: {  	[sflag:s22] =	ssyncset.done $0x0  }
.Ltmp0:
0x4e: {  	s29 =	sadd.s32 $0x2880, s28;
	[sflag:s22] =	ssyncadd.s32 $0xFFFFE000;
	(pc) =	sbr.rel @p0 .LBB2_2-.Ltmp0, $4  }
0x4f: {  	[spmem:s2] =	stream.indirect.scatter.add.bf16 [tilespmem:s20], [sflag:$0x3], $0x40, s29, s18, $0xb8;
	[tilespmem:$0x13000] =	vst v63  }
0x50: {  	_ =	swait.ge [sflag:s10], $0x2000  }
0x51: {  	[sflag:s10] =	ssyncset.done $0x0  }
0x52: {  	s28 =	sadd.s32 $0x180, s28;
	[sflag:s10] =	ssyncadd.s32 $0xFFFFE000  }
0x53: {  	[tilespmem:s20], [sflag:$0x2] =	stream.indirect.gather [hbm4b:s4+s18], $0x40, s28, s18, $0xb8;
	[tilespmem:$0x13000] =	vst v63  }
0x54: {  	_ =	swait.ge [sflag:s21], $0x2000  }
0x55: {  	[sflag:s21] =	ssyncset.done $0x0  }
0x56: {  	[sflag:s21] =	ssyncadd.s32 $0xFFFFE000  }
0x57: {  	[spmem:s2] =	stream.indirect.scatter.add.bf16 [tilespmem:s19], [sflag:$0x3], $0x40, s23, s18, $0xb8;
	[tilespmem:$0x13000] =	vst v63  }
0x58: {  	_ =	swait.ge [sflag:s10], $0x2000  }
0x59: {  	[sflag:s10] =	ssyncset.done $0x0  }
0x5a: {  	[sflag:s10] =	ssyncadd.s32 $0xFFFFE000  }
0x5b: {  	_ =	swait.ge [sflag:s22], $0x2000  }
0x5c: {  	[sflag:s22] =	ssyncset.done $0x0  }
0x5d: {  	[sflag:s22] =	ssyncadd.s32 $0xFFFFE000  }
0x5e: {  	[spmem:s2] =	stream.indirect.scatter.add.bf16 [tilespmem:s20], [sflag:$0x3], $0x40, s24, s18, $0xb8;
	[tilespmem:$0x13000] =	vst v63  }
0x5f: {  	_ =	swait.ge [sflag:s10], $0x2000  }
0x60: {  	s25 =	sadd.s32 $0x1, s25;
	[sflag:s10] =	ssyncset.done $0x0  }
0x61: {  	p0 =	sne.s32 s25, s9;
	[sflag:s10] =	ssyncadd.s32 $0xFFFFE000  }
.Ltmp1:
0x62: {  	[bflag:$0x0] =	sbarrier.arrive $0xFFFF;
	(pc) =	sbr.rel @p0 .LBB2_1-.Ltmp1, $4  }
0x63: {  	[hbm:s8], [sflag:s12] =	dma.local [spmem:s13], $0x1400  }
0x64: {  	_ =	swait.ge [sflag:s10], $0x1400  }
0x65: {  	[sflag:s10] =	ssyncset.done $0x0  }
0x66: {  	[sflag:s10] =	ssyncadd.s32 $0xFFFFEC00  }
0x67: {  	_ =	sfence.sel $0x180000  }
0x68: {  	[bflag:$0x0] =	sbarrier.arrive $0xFFFF  }
0x69: {  	p0 =	sne.s32 s0, $0x0;
	_ =	strace $0x9000004A  }
0x6a: {  	s0 =	sadd.s32 @!p0 $0x100000, s1;
	[bflag:$0x2] =	sbarrier.arrive $0xFFFF  }
0x6b: {  	[sflag:s0] =	ssyncadd.tile.s32 @!p0 $0x1;
	_ =	shalt  }
.Lfunc_end2:
_tile_overlayer_lowered:
.L_overlay_start_2:
0x6c: {  	(tag) =	ssettag $0x2  }
0x6d: {  	s0 =	rddreg [dreg:$0x0];
	s2 =	stileid.u32  }
0x6e: {  	s1 =	rddreg [dreg:$0x1];
	p0 =	sne.s32 s2, $0x0  }
0x6f: {  	s3 =	rddreg [dreg:$0x2];
	[bflag:$0x3] =	sbarrier.arrive $0xFFFF;
	s2 =	simm.s32 @!p0 $0x1C03  }
0x70: {  	[timem:s3], [sflag:s2] =	dma.local @!p0 [hbm:s0], s1  }
0x71: {  	s0 =	simm.s32 @!p0 $0x3  }
0x72: {  	_ =	swait.ge @!p0 [sflag:s0], s1  }
0x73: {  	s1 =	ssub.s32 @!p0 $0x0, s1;
	[sflag:s0] =	ssyncset.done @!p0 $0x0  }
0x74: {  	[sflag:s0] =	ssyncadd.s32 @!p0 s1  }
0x75: {  	[bflag:$0x3] =	sbarrier.arrive $0xFFFF  }
0x76: {  	_ =	shalt  }

// kernel: kernel.14.cloned.1.call-start
scs
__scs_entry_jumppad:
0x0: {  	(pc) =	sbr.rel $0x88, $3  }
0x1: {  	(tag) =	ssettag $0x0;
	lr =	simm.s32 $0x1  }
0x2: {  	[smem:$0x3F9B] =	sst lr;
	_ =	strace $0xD0000000  }
0x3: {  	_ = 	snop  }
0x4: {  	_ = 	snop  }
0x5: {  	_ = 	snop  }
0x6: {  	_ = 	snop  }
0x7: {  	_ = 	snop  }
__scs_overlays_trampoline_lowered:
0x8: {  	[smem:$0x3FAA] =	sst s0  }
0x9: {  	[smem:$0x3FAB] =	sst s1  }
0xa: {  	[smem:$0x3FAC] =	sst s2  }
0xb: {  	[smem:$0x3FAD] =	sst s3  }
0xc: {  	[smem:$0x3FAE] =	sst s4  }
0xd: {  	[smem:$0x3FAF] =	sst s5  }
0xe: {  	[smem:$0x3FB0] =	sst s6  }
0xf: {  	[smem:$0x3FB1] =	sst s7  }
0x10: {  	[smem:$0x3FB2] =	sst s8  }
0x11: {  	[smem:$0x3FB3] =	sst s9;
	s0 =	simm.s32 @!p0 $0x0  }
0x12: {  	s1 =	sld [smem:$0x3F99];
	s0 =	simm.s32 @p0 $0x1  }
0x13: {  	[smem:$0x3FB4] =	sst s0;
	s0 =	simm.s32 @!p1 $0x0  }
0x14: {  	s2 =	sld [smem:$0x3F98];
	s0 =	simm.s32 @p1 $0x1  }
0x15: {  	[smem:$0x3FB5] =	sst s0;
	s0 =	simm.s32 @!p2 $0x0  }
0x16: {  	s3 =	sld [smem:$0x3FDB];
	s0 =	simm.s32 @p2 $0x1  }
0x17: {  	s4 =	simm.s32 $0x1BF5;
	[smem:$0x3FB7] =	sst s0  }
0x18: {  	s0 =	sld [smem:$0x3F9A];
	_ =	swait.ge [sflag:s4], $0x0  }
0x19: {  	s7 =	sld [smem:$0x3F9B]  }
0x1a: {  	s8 =	sadd.s32 $0xFFFFE003, lr  }
0x1b: {  	s9 =	sadd.s32 $0xFFFFFEF7, lr;
	s5 =	simm.s32 $0xFFFFFFFF;
	p2 =	slt.u32 s8, $0xFFFFF086  }
0x1c: {  	p1 =	slt.u32 s9, $0xF7A;
	s5 =	simm.s32 @!p2 $0x0  }
0x1d: {  	s5 =	simm.s32 @p1 $0x1;
	p0 =	seq.s32 s7, s2  }
0x1e: {  	s7 =	smul.u32 @!p0 $0xF7A, s2;
	p2 =	seq.s32 @!p0 s5, $0x0  }
0x1f: {  	s9 =	smul.u32 $0xF7A, s1;
	s8 =	simm.s32 @!p0 $0x1BF5;
	p2 =	por !p2, p0  }
0x20: {  	[sflag:s8] =	ssyncset.s32 @!p0 $0xFFFFF086;
	s6 =	sadd.s32 @!p0 s3, s7;
	s7 =	simm.s32 @!p0 $0x108  }
0x21: {  	s3 =	sadd.s32 s3, s9;
	s6 =	sadd.s32 @!p0 $0x88, s6;
	s7 =	simm.s32 @p2 $0x1082  }
0x22: {  	[simem:s7], [sflag:s8] =	dma.local @!p0 [hbm:s6], $0xF7A  }
0x23: {  	s9 =	sor.u32 $0xD0000000, s2;
	s6 =	simm.s32 $0x108;
	_ =	swait.ge @!p0 [sflag:s8], $0x0  }
0x24: {  	s3 =	sadd.s32 $0x88, s3;
	s6 =	simm.s32 @!p1 $0x1082;
	[sflag:s4] =	ssyncset.s32 $0xFFFFF086  }
0x25: {  	[simem:s6], [sflag:s4] =	dma.local [hbm:s3], $0xF7A  }
0x26: {  	[smem:$0x3F9B] =	sst s1;
	(tag) =	ssettag s2;
	_ =	strace s9  }
0x27: {  	s1 =	sld [smem:$0x3FAB]  }
0x28: {  	s2 =	sld [smem:$0x3FAC]  }
0x29: {  	s4 =	sld [smem:$0x3FAE]  }
0x2a: {  	p0 =	seq.s32 s5, $0x0;
	s5 =	sld [smem:$0x3FAF]  }
0x2b: {  	s6 =	sld [smem:$0x3FB0]  }
0x2c: {  	s7 =	sld [smem:$0x3FB1]  }
0x2d: {  	s3 =	simm.s32 $0x108;
	s8 =	sld [smem:$0x3FB2]  }
0x2e: {  	s3 =	simm.s32 @!p0 $0x1082;
	s9 =	sld [smem:$0x3FB3]  }
0x2f: {  	lr =	sadd.s32 s0, s3;
	s0 =	sld [smem:$0x3FAA]  }
0x30: {  	s3 =	sld [smem:$0x3FAD]  }
0x31: {  	[smem:$0x3FB6] =	sst s10  }
0x32: {  	s10 =	sld [smem:$0x3FB4];
	_ =	sdelay $0x3  }
0x33: {  	p0 =	seq.s32 s10, $0x1;
	s10 =	sld [smem:$0x3FB6];
	_ =	sdelay $0x3  }
0x34: {  	[smem:$0x3FB6] =	sst s10  }
0x35: {  	s10 =	sld [smem:$0x3FB5];
	_ =	sdelay $0x3  }
0x36: {  	p1 =	seq.s32 s10, $0x1;
	s10 =	sld [smem:$0x3FB6];
	_ =	sdelay $0x3  }
0x37: {  	[smem:$0x3FB6] =	sst s10  }
0x38: {  	s10 =	sld [smem:$0x3FB7]  }
0x39: {  	_ = 	snop;
	(pc) =	sbr.ind lr, $3  }
0x3a: {  	_ = 	snop  }
0x3b: {  	_ = 	snop  }
0x3c: {  	p2 =	seq.s32 s10, $0x1;
	s10 =	sld [smem:$0x3FB6]  }
0x3d: {  	_ =	shalt  }
0x3e: {  	_ =	shalt  }
0x3f: {  	_ =	shalt  }
0x40: {  	_ =	shalt  }
0x41: {  	_ =	shalt  }
0x42: {  	_ =	shalt  }
0x43: {  	_ =	shalt  }
0x44: {  	_ =	shalt  }
0x45: {  	_ =	shalt  }
0x46: {  	_ =	shalt  }
0x47: {  	_ =	shalt  }
0x48: {  	_ =	shalt  }
0x49: {  	_ =	shalt  }
0x4a: {  	_ =	shalt  }
0x4b: {  	_ =	shalt  }
0x4c: {  	_ =	shalt  }
0x4d: {  	_ =	shalt  }
0x4e: {  	_ =	shalt  }
0x4f: {  	_ =	shalt  }
0x50: {  	_ =	shalt  }
0x51: {  	_ =	shalt  }
0x52: {  	_ =	shalt  }
0x53: {  	_ =	shalt  }
0x54: {  	_ =	shalt  }
0x55: {  	_ =	shalt  }
0x56: {  	_ =	shalt  }
0x57: {  	_ =	shalt  }
0x58: {  	_ =	shalt  }
0x59: {  	_ =	shalt  }
0x5a: {  	_ =	shalt  }
0x5b: {  	_ =	shalt  }
0x5c: {  	_ =	shalt  }
0x5d: {  	_ =	shalt  }
0x5e: {  	_ =	shalt  }
0x5f: {  	_ =	shalt  }
0x60: {  	_ =	shalt  }
0x61: {  	_ =	shalt  }
0x62: {  	_ =	shalt  }
0x63: {  	_ =	shalt  }
0x64: {  	_ =	shalt  }
0x65: {  	_ =	shalt  }
0x66: {  	_ =	shalt  }
0x67: {  	_ =	shalt  }
0x68: {  	_ =	shalt  }
0x69: {  	_ =	shalt  }
0x6a: {  	_ =	shalt  }
0x6b: {  	_ =	shalt  }
0x6c: {  	_ =	shalt  }
0x6d: {  	_ =	shalt  }
0x6e: {  	_ =	shalt  }
0x6f: {  	_ =	shalt  }
0x70: {  	_ =	shalt  }
0x71: {  	_ =	shalt  }
0x72: {  	_ =	shalt  }
0x73: {  	_ =	shalt  }
0x74: {  	_ =	shalt  }
0x75: {  	_ =	shalt  }
0x76: {  	_ =	shalt  }
0x77: {  	_ =	shalt  }
0x78: {  	_ =	shalt  }
0x79: {  	_ =	shalt  }
0x7a: {  	_ =	shalt  }
0x7b: {  	_ =	shalt  }
0x7c: {  	_ =	shalt  }
0x7d: {  	_ =	shalt  }
0x7e: {  	_ =	shalt  }
0x7f: {  	_ =	shalt  }
0x80: {  	_ =	shalt  }
0x81: {  	_ =	shalt  }
0x82: {  	_ =	shalt  }
0x83: {  	_ =	shalt  }
0x84: {  	_ =	shalt  }
0x85: {  	_ =	shalt  }
0x86: {  	_ =	shalt  }
0x87: {  	_ =	shalt  }
.Lfunc_end0:
.L_simem_size_0:
called_computation.2_lowered:
.L_overlay_start_0:
0x88: {  	s2 =	sld [smem:$0x3FD9]  }
0x89: {  	s3 =	sld [smem:$0x3FFE];
	_ =	sdelay $0x1  }
0x8a: {  	s1 =	srdreg.scid  }
0x8b: {  	s0 =	sand.u32 $0x1, s1  }
0x8c: {  	s16 =	sshll.u32 s0, $0xA;
	s2 =	sadd.s32 s3, s2  }
0x8d: {  	s2 =	sadd.s32 s2, s16  }
0x8e: {  	[smem:$0x3FC2] =	sst s2  }
0x8f: {  	_ = 	snop  }
0x90: {  	(tm) =	ssettm $0x1  }
0x91: {  	s17 =	sld [smem:$0x3FFB];
	_ =	sdelay $0x3  }
0x92: {  	_ =	strace s17  }
0x93: {  	s2 =	sld [smem:$0x3FFC];
	_ =	sdelay $0x3  }
0x94: {  	_ =	strace s2  }
0x95: {  	s2 =	sld [smem:$0x3FFD];
	_ =	sdelay $0x3  }
0x96: {  	_ =	strace s2  }
0x97: {  	_ =	strace $0x8FFFFFFF  }
0x98: {  	s18 =	sld [smem:$0x3FDB];
	_ =	sdelay $0x1  }
0x99: {  	s19 =	simm.s32 $_scs_section_size  }
0x9a: {  	s4 =	simm.s32 $_size__tile_overlayer_lowered;
	s5 =	simm.s32 $_tile_overlayer_lowered  }
0x9b: {  	s22 =	simm.s32 $0x1BFF;
	s21 =	sshll.u32 s5, $0x1;
	s2 =	sadd.s32 s19, s18  }
0x9c: {  	s6 =	simm.s32 $0x0;
	s20 =	sshll.u32 s4, $0x1;
	s4 =	sadd.s32 s21, s2  }
0x9d: {  	[timem:s6], [sflag:s22] =	dma.local [hbm:s4], s20  }
0x9e: {  	_ =	swait.ge [sflag:s22], s20  }
0x9f: {  	s3 =	ssub.s32 $0x0, s20;
	[sflag:s22] =	ssyncset.done $0x0  }
0xa0: {  	[sflag:s22] =	ssyncadd.s32 s3;
	_ =	sdelay $0x1  }
0xa1: {  	s23 =	simm.s32 $0x1B8B  }
0xa2: {  	_ =	swait.ge [sflag:s23], $0x1  }
0xa3: {  	[sflag:s23] =	ssyncset.done $0x0  }
0xa4: {  	s25 =	simm.s32 $0x1B8E;
	s24 =	sld [smem:$0x3FFE];
	[sflag:s23] =	ssyncadd.s32 $0xFFFFFFFF  }
0xa5: {  	s26 =	simm.s32 $execute0_lowered;
	[smem:$0x3FD2] =	sst s25  }
0xa6: {  	s4 =	sshll.u32 s26, $0x1;
	_ =	strace $0x8000004C;
	[dreg:$0x1] =	wrdreg $0xFFFFFFFF  }
0xa7: {  	s28 =	simm.s32 $_size_execute0_lowered;
	s2 =	sadd.s32 s2, s4;
	[dreg:$0x0] =	wrdreg $0x0  }
0xa8: {  	s4 =	sshll.u32 s28, $0x1;
	[dreg:$0x2] =	wrdreg s2  }
0xa9: {  	[dreg:$0x3] =	wrdreg s4  }
0xaa: {  	[dreg:$0x4] =	wrdreg $0xC0  }
0xab: {  	_ =	task [dreg:s6], $0x5FFFF  }
0xac: {  	[dreg:$0x1] =	wrdreg $0xFFFFFFFF  }
0xad: {  	[dreg:$0x0] =	wrdreg $0x60  }
0xae: {  	[dreg:$0x2] =	wrdreg s24  }
0xaf: {  	[dreg:$0x3] =	wrdreg $0x90000  }
0xb0: {  	[dreg:$0x4] =	wrdreg $0x9  }
0xb1: {  	_ =	task.clear_ibuf [dreg:s6], $0x5FFFF;
	_ =	strace $0x9000004C  }
0xb2: {  	s29 =	simm.s32 $0x9;
	_ =	strace $0x8000004E  }
0xb3: {  	_ =	swait.ge [sflag:s29], $0x1  }
0xb4: {  	[sflag:s29] =	ssyncadd.s32 $0xFFFFFFFF  }
0xb5: {  	_ =	strace $0x9000004E  }
0xb6: {  	_ =	sfence  }
0xb7: {  	s30 =	sld [smem:$0x0];
	_ =	sdelay $0x2  }
0xb8: {  	s31 =	sshll.u32 s1, $0xD;
	s1 =	sshrl.u32 s1, $0x2  }
0xb9: {  	s3 =	sand.u32 $0x4000, s31;
	s1 =	sadd.s32 s1, s30  }
0xba: {  	s0 =	sor.u32 s3, s0;
	s1 =	sshll.u32 s1, $0x11  }
0xbb: {  	s0 =	sor.u32 s1, s0  }
0xbc: {  	s0 =	sadd.s32 $0x8F2B, s0  }
0xbd: {  	[sflag:s0] =	ssyncadd.remote.s32 $0x1  }
0xbe: {  	_ =	sfence.sel $0xFFFF  }
0xbf: {  	[dreg:$0x0] =	wrdreg $0xFFFFFFFF;
	(pc) =	sbr.abs _section_cstart, $3  }
0xc0: {  	[dreg:$0x1] =	wrdreg $0xFFFFFFFF  }
0xc1: {  	_ =	task.clear_ibuf [dreg:s6], $0x2FFFF;
	_ =	strace $0x9FFFFFFF  }
0xc2: {  	(tm) =	ssettm $0x7FFFFFFF  }
0xc3: {  	_ =	shalt  }
tec
execute0_lowered:
.L_overlay_start_1:
0x0: {  	(tag) =	ssettag $0x1  }
0x1: {  	s1 =	srdreg.scid;
	s6 =	rddreg [dreg:$0x0]  }
0x2: {  	s0 =	stileid.u32;
	s2 =	rddreg [dreg:$0x1];
	s3 =	simm.s32 $0x0  }
0x3: {  	s18 =	simm.s32 $0x80;
	s19 =	simm.s32 $0x5000;
	s20 =	simm.s32 $0x7000  }
0x4: {  	s21 =	simm.s32 $0x1;
	s22 =	simm.s32 $0x2;
	s23 =	simm.s32 $0x4F00  }
0x5: {  	s24 =	simm.s32 $0x4F80;
	s25 =	simm.s32 $0x0;
	s5 =	sand.u32 $0x1, s1  }
0x6: {  	s30 =	sshll.u32 s0, $0x1;
	s8 =	smul.u32 $0x14000, s0;
	[smem:$0x7FF] =	sst s3  }
0x7: {  	s4 =	sadd.s32 $0x15C00, s6;
	s11 =	smul.u32 $0x28000, s0;
	s12 =	sshll.u32 s0, $0x6  }
0x8: {  	s1 =	sor.u32 s5, s30;
	s9 =	smul.u32 $0x140000, s5;
	s10 =	ssub.s32 $0x2, s5  }
0x9: {  	s5 =	sadd.s32 $0x3E200, s6;
	s12 =	sor.u32 $0x1C03, s12;
	s7 =	smul.u32 $0x500, s1  }
0xa: {  	s1 =	rddreg [dreg:$0x2];
	_ =	strace $0x8000004D;
	s31 =	sshrl.u32 s10, $0x1  }
0xb: {  	s11 =	sshrl.u32 s11, $0x2;
	s9 =	sadd.s32 s8, s9;
	s10 =	ssub.s32 s10, s31  }
0xc: {  	s8 =	sshrl.u32 s8, $0x1;
	s11 =	sadd.s32 s11, s2;
	s7 =	sadd.s32 s7, s6  }
0xd: {  	s9 =	sshrl.u32 s9, $0x4;
	s13 =	sadd.s32 s8, s2;
	s14 =	sadd.s32 $0x2000, s11  }
0xe: {  	s15 =	sadd.s32 $0x4000, s11;
	s16 =	sadd.s32 $0x6000, s11;
	s17 =	sadd.s32 $0x8000, s11  }
0xf: {  	s11 =	simm.s32 $0x2800;
	s9 =	sadd.s32 s9, s6;
	s6 =	sadd.s32 $0xBC00, s7  }
0x10: {  	s7 =	sadd.s32 $0x1C00, s7;
	s13 =	sshrl.u32 s13, $0x3;
	s14 =	sshrl.u32 s14, $0x3  }
0x11: {  	s15 =	sshrl.u32 s15, $0x3;
	s16 =	sshrl.u32 s16, $0x3;
	s17 =	sshrl.u32 s17, $0x3  }
0x12: {  	s8 =	sadd.s32 $0x3E600, s9;
	s9 =	smax.u32 s10, $0x1;
	s10 =	simm.s32 $0x3  }
.LBB2_1:
0x13: {  	[tilespmem:s3], [sflag:$0x3] =	stream.linear.gather [hbm4b:s6+s3], $0x2800, $0x38;
	[tilespmem:$0x13000] =	vst v63  }
0x14: {  	_ =	swait.ge [sflag:s10], $0x2800  }
0x15: {  	[sflag:s10] =	ssyncset.done $0x0  }
0x16: {  	[sflag:s10] =	ssyncadd.s32 $0xFFFFD800  }
0x17: {  	[tilespmem:s11], [sflag:$0x3] =	stream.linear.gather [hbm4b:s7+s3], $0x2800, $0x38;
	[tilespmem:$0x13000] =	vst v63  }
0x18: {  	_ =	swait.ge [sflag:s10], $0x2800  }
0x19: {  	[sflag:s10] =	ssyncset.done $0x0  }
0x1a: {  	[sflag:s10] =	ssyncadd.s32 $0xFFFFD800  }
0x1b: {  	[spmem:s13], [sflag:s12] =	dma.local [hbm:s5], $0x400  }
0x1c: {  	_ =	swait.ge [sflag:s10], $0x400  }
0x1d: {  	[sflag:s10] =	ssyncset.done $0x0  }
0x1e: {  	[sflag:s10] =	ssyncadd.s32 $0xFFFFFC00  }
0x1f: {  	[spmem:s14], [sflag:s12] =	dma.local [hbm:s5], $0x400  }
0x20: {  	_ =	swait.ge [sflag:s10], $0x400  }
0x21: {  	[sflag:s10] =	ssyncset.done $0x0  }
0x22: {  	[sflag:s10] =	ssyncadd.s32 $0xFFFFFC00  }
0x23: {  	[spmem:s15], [sflag:s12] =	dma.local [hbm:s5], $0x400  }
0x24: {  	_ =	swait.ge [sflag:s10], $0x400  }
0x25: {  	[sflag:s10] =	ssyncset.done $0x0  }
0x26: {  	[sflag:s10] =	ssyncadd.s32 $0xFFFFFC00  }
0x27: {  	[spmem:s16], [sflag:s12] =	dma.local [hbm:s5], $0x400  }
0x28: {  	_ =	swait.ge [sflag:s10], $0x400  }
0x29: {  	[sflag:s10] =	ssyncset.done $0x0  }
0x2a: {  	[sflag:s10] =	ssyncadd.s32 $0xFFFFFC00  }
0x2b: {  	[spmem:s17], [sflag:s12] =	dma.local [hbm:s5], $0x400  }
0x2c: {  	_ =	swait.ge [sflag:s10], $0x400  }
0x2d: {  	[sflag:s10] =	ssyncset.done $0x0  }
0x2e: {  	[sflag:s10] =	ssyncadd.s32 $0xFFFFFC00  }
0x2f: {  	[bflag:$0x0] =	sbarrier.arrive $0xFFFF  }
0x30: {  	[tilespmem:s19], [sflag:$0x1] =	stream.indirect.gather [hbm4b:s4+s18], $0x40, s3, s18, $0xb8;
	[tilespmem:$0x13000] =	vst v63  }
0x31: {  	_ = 	snop  }
0x32: {  	[tilespmem:s20], [sflag:$0x2] =	stream.indirect.gather [hbm4b:s4+s18], $0x40, s18, s18, $0xb8;
	[tilespmem:$0x13000] =	vst v63  }
0x33: {  	_ =	swait.ge [sflag:s21], $0x2000  }
0x34: {  	[sflag:s21] =	ssyncset.done $0x0  }
0x35: {  	s26 =	simm.s32 $0x2800;
	[sflag:s21] =	ssyncadd.s32 $0xFFFFE000  }
0x36: {  	[spmem:s2] =	stream.indirect.scatter.add.bf16 [tilespmem:s19], [sflag:$0x3], $0x40, s26, s18, $0xb8;
	[tilespmem:$0x13000] =	vst v63  }
0x37: {  	_ =	swait.ge [sflag:s10], $0x2000  }
0x38: {  	[sflag:s10] =	ssyncset.done $0x0  }
0x39: {  	s30 =	simm.s32 $0x100;
	[sflag:s10] =	ssyncadd.s32 $0xFFFFE000  }
0x3a: {  	[tilespmem:s19], [sflag:$0x1] =	stream.indirect.gather [hbm4b:s4+s18], $0x40, s30, s18, $0xb8;
	[tilespmem:$0x13000] =	vst v63  }
0x3b: {  	_ =	swait.ge [sflag:s22], $0x2000  }
0x3c: {  	[sflag:s22] =	ssyncset.done $0x0  }
0x3d: {  	s31 =	simm.s32 $0x2880;
	[sflag:s22] =	ssyncadd.s32 $0xFFFFE000  }
0x3e: {  	[spmem:s2] =	stream.indirect.scatter.add.bf16 [tilespmem:s20], [sflag:$0x3], $0x40, s31, s18, $0xb8;
	[tilespmem:$0x13000] =	vst v63  }
0x3f: {  	_ =	swait.ge [sflag:s10], $0x2000  }
0x40: {  	[sflag:s10] =	ssyncset.done $0x0  }
0x41: {  	s28 =	simm.s32 $0x180;
	s26 =	simm.s32 $0x400;
	[sflag:s10] =	ssyncadd.s32 $0xFFFFE000  }
.LBB2_2:
0x42: {  	[tilespmem:s20], [sflag:$0x2] =	stream.indirect.gather [hbm4b:s4+s18], $0x40, s28, s18, $0xb8;
	[tilespmem:$0x13000] =	vst v63  }
0x43: {  	s28 =	smov.u32 s26  }
0x44: {  	p0 =	sne.s32 s26, $0x9800;
	s26 =	sadd.s32 $0x400, s26;
	_ =	swait.ge [sflag:s21], $0x2000  }
0x45: {  	s28 =	sshra.s32 s28, $0x2;
	[sflag:s21] =	ssyncset.done $0x0  }
0x46: {  	s29 =	sadd.s32 $0x2800, s28;
	[sflag:s21] =	ssyncadd.s32 $0xFFFFE000  }
0x47: {  	[spmem:s2] =	stream.indirect.scatter.add.bf16 [tilespmem:s19], [sflag:$0x3], $0x40, s29, s18, $0xb8;
	[tilespmem:$0x13000] =	vst v63  }
0x48: {  	_ =	swait.ge [sflag:s10], $0x2000  }
0x49: {  	[sflag:s10] =	ssyncset.done $0x0  }
0x4a: {  	s29 =	sadd.s32 $0x100, s28;
	[sflag:s10] =	ssyncadd.s32 $0xFFFFE000  }
0x4b: {  	[tilespmem:s19], [sflag:$0x1] =	stream.indirect.gather [hbm4b:s4+s18], $0x40, s29, s18, $0xb8;
	[tilespmem:$0x13000] =	vst v63  }
0x4c: {  	_ =	swait.ge [sflag:s22], $0x2000  }
0x4d: {  	[sflag:s22] =	ssyncset.done $0x0  }
.Ltmp0:
0x4e: {  	s29 =	sadd.s32 $0x2880, s28;
	[sflag:s22] =	ssyncadd.s32 $0xFFFFE000;
	(pc) =	sbr.rel @p0 .LBB2_2-.Ltmp0, $4  }
0x4f: {  	[spmem:s2] =	stream.indirect.scatter.add.bf16 [tilespmem:s20], [sflag:$0x3], $0x40, s29, s18, $0xb8;
	[tilespmem:$0x13000] =	vst v63  }
0x50: {  	_ =	swait.ge [sflag:s10], $0x2000  }
0x51: {  	[sflag:s10] =	ssyncset.done $0x0  }
0x52: {  	s28 =	sadd.s32 $0x180, s28;
	[sflag:s10] =	ssyncadd.s32 $0xFFFFE000  }
0x53: {  	[tilespmem:s20], [sflag:$0x2] =	stream.indirect.gather [hbm4b:s4+s18], $0x40, s28, s18, $0xb8;
	[tilespmem:$0x13000] =	vst v63  }
0x54: {  	_ =	swait.ge [sflag:s21], $0x2000  }
0x55: {  	[sflag:s21] =	ssyncset.done $0x0  }
0x56: {  	[sflag:s21] =	ssyncadd.s32 $0xFFFFE000  }
0x57: {  	[spmem:s2] =	stream.indirect.scatter.add.bf16 [tilespmem:s19], [sflag:$0x3], $0x40, s23, s18, $0xb8;
	[tilespmem:$0x13000] =	vst v63  }
0x58: {  	_ =	swait.ge [sflag:s10], $0x2000  }
0x59: {  	[sflag:s10] =	ssyncset.done $0x0  }
0x5a: {  	[sflag:s10] =	ssyncadd.s32 $0xFFFFE000  }
0x5b: {  	_ =	swait.ge [sflag:s22], $0x2000  }
0x5c: {  	[sflag:s22] =	ssyncset.done $0x0  }
0x5d: {  	[sflag:s22] =	ssyncadd.s32 $0xFFFFE000  }
0x5e: {  	[spmem:s2] =	stream.indirect.scatter.add.bf16 [tilespmem:s20], [sflag:$0x3], $0x40, s24, s18, $0xb8;
	[tilespmem:$0x13000] =	vst v63  }
0x5f: {  	_ =	swait.ge [sflag:s10], $0x2000  }
0x60: {  	s25 =	sadd.s32 $0x1, s25;
	[sflag:s10] =	ssyncset.done $0x0  }
0x61: {  	p0 =	sne.s32 s25, s9;
	[sflag:s10] =	ssyncadd.s32 $0xFFFFE000  }
.Ltmp1:
0x62: {  	[bflag:$0x0] =	sbarrier.arrive $0xFFFF;
	(pc) =	sbr.rel @p0 .LBB2_1-.Ltmp1, $4  }
0x63: {  	[hbm:s8], [sflag:s12] =	dma.local [spmem:s13], $0x1400  }
0x64: {  	_ =	swait.ge [sflag:s10], $0x1400  }
0x65: {  	[sflag:s10] =	ssyncset.done $0x0  }
0x66: {  	[sflag:s10] =	ssyncadd.s32 $0xFFFFEC00  }
0x67: {  	_ =	sfence.sel $0x180000  }
0x68: {  	[bflag:$0x0] =	sbarrier.arrive $0xFFFF  }
0x69: {  	p0 =	sne.s32 s0, $0x0;
	_ =	strace $0x9000004D  }
0x6a: {  	s0 =	sadd.s32 @!p0 $0x100000, s1;
	[bflag:$0x2] =	sbarrier.arrive $0xFFFF  }
0x6b: {  	[sflag:s0] =	ssyncadd.tile.s32 @!p0 $0x1;
	_ =	shalt  }
.Lfunc_end2:
_tile_overlayer_lowered:
.L_overlay_start_2:
0x6c: {  	(tag) =	ssettag $0x2  }
0x6d: {  	s0 =	rddreg [dreg:$0x0];
	s2 =	stileid.u32  }
0x6e: {  	s1 =	rddreg [dreg:$0x1];
	p0 =	sne.s32 s2, $0x0  }
0x6f: {  	s3 =	rddreg [dreg:$0x2];
	[bflag:$0x3] =	sbarrier.arrive $0xFFFF;
	s2 =	simm.s32 @!p0 $0x1C03  }
0x70: {  	[timem:s3], [sflag:s2] =	dma.local @!p0 [hbm:s0], s1  }
0x71: {  	s0 =	simm.s32 @!p0 $0x3  }
0x72: {  	_ =	swait.ge @!p0 [sflag:s0], s1  }
0x73: {  	s1 =	ssub.s32 @!p0 $0x0, s1;
	[sflag:s0] =	ssyncset.done @!p0 $0x0  }
0x74: {  	[sflag:s0] =	ssyncadd.s32 @!p0 s1  }
0x75: {  	[bflag:$0x3] =	sbarrier.arrive $0xFFFF  }
0x76: {  	_ =	shalt  }

// kernel: kernel.8.cloned.1.call-start
scs
__scs_entry_jumppad:
0x0: {  	(pc) =	sbr.rel $0x88, $3  }
0x1: {  	(tag) =	ssettag $0x0;
	lr =	simm.s32 $0x1  }
0x2: {  	[smem:$0x3F9B] =	sst lr;
	_ =	strace $0xD0000000  }
0x3: {  	_ = 	snop  }
0x4: {  	_ = 	snop  }
0x5: {  	_ = 	snop  }
0x6: {  	_ = 	snop  }
0x7: {  	_ = 	snop  }
__scs_overlays_trampoline_lowered:
0x8: {  	[smem:$0x3FAA] =	sst s0  }
0x9: {  	[smem:$0x3FAB] =	sst s1  }
0xa: {  	[smem:$0x3FAC] =	sst s2  }
0xb: {  	[smem:$0x3FAD] =	sst s3  }
0xc: {  	[smem:$0x3FAE] =	sst s4  }
0xd: {  	[smem:$0x3FAF] =	sst s5  }
0xe: {  	[smem:$0x3FB0] =	sst s6  }
0xf: {  	[smem:$0x3FB1] =	sst s7  }
0x10: {  	[smem:$0x3FB2] =	sst s8  }
0x11: {  	[smem:$0x3FB3] =	sst s9;
	s0 =	simm.s32 @!p0 $0x0  }
0x12: {  	s1 =	sld [smem:$0x3F99];
	s0 =	simm.s32 @p0 $0x1  }
0x13: {  	[smem:$0x3FB4] =	sst s0;
	s0 =	simm.s32 @!p1 $0x0  }
0x14: {  	s2 =	sld [smem:$0x3F98];
	s0 =	simm.s32 @p1 $0x1  }
0x15: {  	[smem:$0x3FB5] =	sst s0;
	s0 =	simm.s32 @!p2 $0x0  }
0x16: {  	s3 =	sld [smem:$0x3FDB];
	s0 =	simm.s32 @p2 $0x1  }
0x17: {  	s4 =	simm.s32 $0x1BF5;
	[smem:$0x3FB7] =	sst s0  }
0x18: {  	s0 =	sld [smem:$0x3F9A];
	_ =	swait.ge [sflag:s4], $0x0  }
0x19: {  	s7 =	sld [smem:$0x3F9B]  }
0x1a: {  	s8 =	sadd.s32 $0xFFFFE003, lr  }
0x1b: {  	s9 =	sadd.s32 $0xFFFFFEF7, lr;
	s5 =	simm.s32 $0xFFFFFFFF;
	p2 =	slt.u32 s8, $0xFFFFF086  }
0x1c: {  	p1 =	slt.u32 s9, $0xF7A;
	s5 =	simm.s32 @!p2 $0x0  }
0x1d: {  	s5 =	simm.s32 @p1 $0x1;
	p0 =	seq.s32 s7, s2  }
0x1e: {  	s7 =	smul.u32 @!p0 $0xF7A, s2;
	p2 =	seq.s32 @!p0 s5, $0x0  }
0x1f: {  	s9 =	smul.u32 $0xF7A, s1;
	s8 =	simm.s32 @!p0 $0x1BF5;
	p2 =	por !p2, p0  }
0x20: {  	[sflag:s8] =	ssyncset.s32 @!p0 $0xFFFFF086;
	s6 =	sadd.s32 @!p0 s3, s7;
	s7 =	simm.s32 @!p0 $0x108  }
0x21: {  	s3 =	sadd.s32 s3, s9;
	s6 =	sadd.s32 @!p0 $0x88, s6;
	s7 =	simm.s32 @p2 $0x1082  }
0x22: {  	[simem:s7], [sflag:s8] =	dma.local @!p0 [hbm:s6], $0xF7A  }
0x23: {  	s9 =	sor.u32 $0xD0000000, s2;
	s6 =	simm.s32 $0x108;
	_ =	swait.ge @!p0 [sflag:s8], $0x0  }
0x24: {  	s3 =	sadd.s32 $0x88, s3;
	s6 =	simm.s32 @!p1 $0x1082;
	[sflag:s4] =	ssyncset.s32 $0xFFFFF086  }
0x25: {  	[simem:s6], [sflag:s4] =	dma.local [hbm:s3], $0xF7A  }
0x26: {  	[smem:$0x3F9B] =	sst s1;
	(tag) =	ssettag s2;
	_ =	strace s9  }
0x27: {  	s1 =	sld [smem:$0x3FAB]  }
0x28: {  	s2 =	sld [smem:$0x3FAC]  }
0x29: {  	s4 =	sld [smem:$0x3FAE]  }
0x2a: {  	p0 =	seq.s32 s5, $0x0;
	s5 =	sld [smem:$0x3FAF]  }
0x2b: {  	s6 =	sld [smem:$0x3FB0]  }
0x2c: {  	s7 =	sld [smem:$0x3FB1]  }
0x2d: {  	s3 =	simm.s32 $0x108;
	s8 =	sld [smem:$0x3FB2]  }
0x2e: {  	s3 =	simm.s32 @!p0 $0x1082;
	s9 =	sld [smem:$0x3FB3]  }
0x2f: {  	lr =	sadd.s32 s0, s3;
	s0 =	sld [smem:$0x3FAA]  }
0x30: {  	s3 =	sld [smem:$0x3FAD]  }
0x31: {  	[smem:$0x3FB6] =	sst s10  }
0x32: {  	s10 =	sld [smem:$0x3FB4];
	_ =	sdelay $0x3  }
0x33: {  	p0 =	seq.s32 s10, $0x1;
	s10 =	sld [smem:$0x3FB6];
	_ =	sdelay $0x3  }
0x34: {  	[smem:$0x3FB6] =	sst s10  }
0x35: {  	s10 =	sld [smem:$0x3FB5];
	_ =	sdelay $0x3  }
0x36: {  	p1 =	seq.s32 s10, $0x1;
	s10 =	sld [smem:$0x3FB6];
	_ =	sdelay $0x3  }
0x37: {  	[smem:$0x3FB6] =	sst s10  }
0x38: {  	s10 =	sld [smem:$0x3FB7]  }
0x39: {  	_ = 	snop;
	(pc) =	sbr.ind lr, $3  }
0x3a: {  	_ = 	snop  }
0x3b: {  	_ = 	snop  }
0x3c: {  	p2 =	seq.s32 s10, $0x1;
	s10 =	sld [smem:$0x3FB6]  }
0x3d: {  	_ =	shalt  }
0x3e: {  	_ =	shalt  }
0x3f: {  	_ =	shalt  }
0x40: {  	_ =	shalt  }
0x41: {  	_ =	shalt  }
0x42: {  	_ =	shalt  }
0x43: {  	_ =	shalt  }
0x44: {  	_ =	shalt  }
0x45: {  	_ =	shalt  }
0x46: {  	_ =	shalt  }
0x47: {  	_ =	shalt  }
0x48: {  	_ =	shalt  }
0x49: {  	_ =	shalt  }
0x4a: {  	_ =	shalt  }
0x4b: {  	_ =	shalt  }
0x4c: {  	_ =	shalt  }
0x4d: {  	_ =	shalt  }
0x4e: {  	_ =	shalt  }
0x4f: {  	_ =	shalt  }
0x50: {  	_ =	shalt  }
0x51: {  	_ =	shalt  }
0x52: {  	_ =	shalt  }
0x53: {  	_ =	shalt  }
0x54: {  	_ =	shalt  }
0x55: {  	_ =	shalt  }
0x56: {  	_ =	shalt  }
0x57: {  	_ =	shalt  }
0x58: {  	_ =	shalt  }
0x59: {  	_ =	shalt  }
0x5a: {  	_ =	shalt  }
0x5b: {  	_ =	shalt  }
0x5c: {  	_ =	shalt  }
0x5d: {  	_ =	shalt  }
0x5e: {  	_ =	shalt  }
0x5f: {  	_ =	shalt  }
0x60: {  	_ =	shalt  }
0x61: {  	_ =	shalt  }
0x62: {  	_ =	shalt  }
0x63: {  	_ =	shalt  }
0x64: {  	_ =	shalt  }
0x65: {  	_ =	shalt  }
0x66: {  	_ =	shalt  }
0x67: {  	_ =	shalt  }
0x68: {  	_ =	shalt  }
0x69: {  	_ =	shalt  }
0x6a: {  	_ =	shalt  }
0x6b: {  	_ =	shalt  }
0x6c: {  	_ =	shalt  }
0x6d: {  	_ =	shalt  }
0x6e: {  	_ =	shalt  }
0x6f: {  	_ =	shalt  }
0x70: {  	_ =	shalt  }
0x71: {  	_ =	shalt  }
0x72: {  	_ =	shalt  }
0x73: {  	_ =	shalt  }
0x74: {  	_ =	shalt  }
0x75: {  	_ =	shalt  }
0x76: {  	_ =	shalt  }
0x77: {  	_ =	shalt  }
0x78: {  	_ =	shalt  }
0x79: {  	_ =	shalt  }
0x7a: {  	_ =	shalt  }
0x7b: {  	_ =	shalt  }
0x7c: {  	_ =	shalt  }
0x7d: {  	_ =	shalt  }
0x7e: {  	_ =	shalt  }
0x7f: {  	_ =	shalt  }
0x80: {  	_ =	shalt  }
0x81: {  	_ =	shalt  }
0x82: {  	_ =	shalt  }
0x83: {  	_ =	shalt  }
0x84: {  	_ =	shalt  }
0x85: {  	_ =	shalt  }
0x86: {  	_ =	shalt  }
0x87: {  	_ =	shalt  }
.Lfunc_end0:
.L_simem_size_0:
called_computation_lowered:
.L_overlay_start_0:
0x88: {  	s2 =	sld [smem:$0x3FD9]  }
0x89: {  	s3 =	sld [smem:$0x3FFE];
	_ =	sdelay $0x1  }
0x8a: {  	s1 =	srdreg.scid  }
0x8b: {  	s0 =	sand.u32 $0x1, s1  }
0x8c: {  	s16 =	sshll.u32 s0, $0xA;
	s2 =	sadd.s32 s3, s2  }
0x8d: {  	s2 =	sadd.s32 s2, s16  }
0x8e: {  	[smem:$0x3FC2] =	sst s2  }
0x8f: {  	_ = 	snop  }
0x90: {  	(tm) =	ssettm $0x1  }
0x91: {  	s17 =	sld [smem:$0x3FFB];
	_ =	sdelay $0x3  }
0x92: {  	_ =	strace s17  }
0x93: {  	s2 =	sld [smem:$0x3FFC];
	_ =	sdelay $0x3  }
0x94: {  	_ =	strace s2  }
0x95: {  	s2 =	sld [smem:$0x3FFD];
	_ =	sdelay $0x3  }
0x96: {  	_ =	strace s2  }
0x97: {  	_ =	strace $0x8FFFFFFF  }
0x98: {  	s18 =	sld [smem:$0x3FDB];
	_ =	sdelay $0x1  }
0x99: {  	s19 =	simm.s32 $_scs_section_size  }
0x9a: {  	s4 =	simm.s32 $_size__tile_overlayer_lowered;
	s5 =	simm.s32 $_tile_overlayer_lowered  }
0x9b: {  	s22 =	simm.s32 $0x1BFF;
	s21 =	sshll.u32 s5, $0x1;
	s2 =	sadd.s32 s19, s18  }
0x9c: {  	s6 =	simm.s32 $0x0;
	s20 =	sshll.u32 s4, $0x1;
	s4 =	sadd.s32 s21, s2  }
0x9d: {  	[timem:s6], [sflag:s22] =	dma.local [hbm:s4], s20  }
0x9e: {  	_ =	swait.ge [sflag:s22], s20  }
0x9f: {  	s3 =	ssub.s32 $0x0, s20;
	[sflag:s22] =	ssyncset.done $0x0  }
0xa0: {  	[sflag:s22] =	ssyncadd.s32 s3;
	_ =	sdelay $0x1  }
0xa1: {  	s23 =	simm.s32 $0x1B8B  }
0xa2: {  	_ =	swait.ge [sflag:s23], $0x1  }
0xa3: {  	[sflag:s23] =	ssyncset.done $0x0  }
0xa4: {  	s25 =	simm.s32 $0x1B8E;
	s24 =	sld [smem:$0x3FFE];
	[sflag:s23] =	ssyncadd.s32 $0xFFFFFFFF  }
0xa5: {  	s26 =	simm.s32 $execute0_lowered;
	[smem:$0x3FD2] =	sst s25  }
0xa6: {  	s4 =	sshll.u32 s26, $0x1;
	_ =	strace $0x80000046;
	[dreg:$0x1] =	wrdreg $0xFFFFFFFF  }
0xa7: {  	s28 =	simm.s32 $_size_execute0_lowered;
	s2 =	sadd.s32 s2, s4;
	[dreg:$0x0] =	wrdreg $0x0  }
0xa8: {  	s4 =	sshll.u32 s28, $0x1;
	[dreg:$0x2] =	wrdreg s2  }
0xa9: {  	[dreg:$0x3] =	wrdreg s4  }
0xaa: {  	[dreg:$0x4] =	wrdreg $0xC0  }
0xab: {  	_ =	task [dreg:s6], $0x5FFFF  }
0xac: {  	[dreg:$0x1] =	wrdreg $0xFFFFFFFF  }
0xad: {  	[dreg:$0x0] =	wrdreg $0x60  }
0xae: {  	[dreg:$0x2] =	wrdreg s24  }
0xaf: {  	[dreg:$0x3] =	wrdreg $0x9  }
0xb0: {  	_ =	task.clear_ibuf [dreg:s6], $0x4FFFF;
	_ =	strace $0x90000046  }
0xb1: {  	s29 =	simm.s32 $0x9;
	_ =	strace $0x80000048  }
0xb2: {  	_ =	swait.ge [sflag:s29], $0x1  }
0xb3: {  	[sflag:s29] =	ssyncadd.s32 $0xFFFFFFFF  }
0xb4: {  	_ =	strace $0x90000048  }
0xb5: {  	_ =	sfence  }
0xb6: {  	s30 =	sld [smem:$0x0];
	_ =	sdelay $0x2  }
0xb7: {  	s31 =	sshll.u32 s1, $0xD;
	s1 =	sshrl.u32 s1, $0x2  }
0xb8: {  	s3 =	sand.u32 $0x4000, s31;
	s1 =	sadd.s32 s1, s30  }
0xb9: {  	s0 =	sor.u32 s3, s0;
	s1 =	sshll.u32 s1, $0x11  }
0xba: {  	s0 =	sor.u32 s1, s0  }
0xbb: {  	s0 =	sadd.s32 $0x8F2B, s0  }
0xbc: {  	[sflag:s0] =	ssyncadd.remote.s32 $0x1  }
0xbd: {  	_ =	sfence.sel $0xFFFF  }
0xbe: {  	[dreg:$0x0] =	wrdreg $0xFFFFFFFF;
	(pc) =	sbr.abs _section_cstart, $3  }
0xbf: {  	[dreg:$0x1] =	wrdreg $0xFFFFFFFF  }
0xc0: {  	_ =	task.clear_ibuf [dreg:s6], $0x2FFFF;
	_ =	strace $0x9FFFFFFF  }
0xc1: {  	(tm) =	ssettm $0x7FFFFFFF  }
tec
execute0_lowered:
.L_overlay_start_1:
0x0: {  	(tag) =	ssettag $0x1  }
0x1: {  	s1 =	srdreg.scid  }
0x2: {  	s0 =	stileid.u32;
	s5 =	rddreg [dreg:$0x0]  }
0x3: {  	s12 =	simm.s32 $0x2800;
	s13 =	simm.s32 $0x5000;
	s14 =	simm.s32 $0x7800  }
0x4: {  	s15 =	simm.s32 $0x0;
	s3 =	sand.u32 $0x1, s1;
	s26 =	sshrl.u32 s0, $0x2  }
0x5: {  	s2 =	sshll.u32 s0, $0x8;
	s1 =	rddreg [dreg:$0x1];
	s9 =	sadd.s32 $0x2A200, s5  }
0x6: {  	s4 =	smul.u32 $0x14000, s26;
	s28 =	sshll.u32 s3, $0x7;
	s2 =	sand.u32 $0x300, s2  }
0x7: {  	s29 =	ssub.s32 $0x2, s3;
	s3 =	sadd.s32 $0x29C00, s5;
	s6 =	sor.u32 s28, s2  }
0x8: {  	s2 =	simm.s32 $0x0;
	s30 =	sshrl.u32 s29, $0x1;
	s6 =	sor.u32 s4, s6  }
0x9: {  	[smem:$0x7FF] =	sst s2;
	s10 =	ssub.s32 s29, s30;
	s7 =	sshrl.u32 s6, $0x3  }
0xa: {  	_ =	strace $0x80000047;
	s11 =	sadd.s32 $0x50000, s6;
	s8 =	sadd.s32 s7, s5  }
0xb: {  	s6 =	sadd.s32 s9, s7;
	s31 =	sshrl.u32 s11, $0x3;
	s11 =	simm.s32 $0x1  }
0xc: {  	s4 =	sadd.s32 $0x1FC00, s8;
	s5 =	sadd.s32 $0x15C00, s8;
	s7 =	sadd.s32 s9, s31  }
0xd: {  	v0 =	vimm.f32 $1.000000000e+00;
	s8 =	smax.u32 s10, $0x1;
	s9 =	simm.s32 $0x80;
	s10 =	simm.s32 $0x400  }
.LBB2_1:
0xe: {  	[tilespmem:s2], [sflag:$0x1] =	stream.strided.gather [hbm4b:s4+s9], $0x2800, s10, s9, $0x38;
	[tilespmem:$0xA000] =	vst v63  }
0xf: {  	_ =	swait.ge [sflag:s11], $0x2800  }
0x10: {  	[sflag:s11] =	ssyncset.done $0x0  }
0x11: {  	[sflag:s11] =	ssyncadd.s32 $0xFFFFD800  }
0x12: {  	[tilespmem:s12], [sflag:$0x1] =	stream.strided.gather [hbm4b:s5+s9], $0x2800, s10, s9, $0x38;
	[tilespmem:$0xA000] =	vst v63  }
0x13: {  	_ =	swait.ge [sflag:s11], $0x2800  }
0x14: {  	[sflag:s11] =	ssyncset.done $0x0  }
0x15: {  	[sflag:s11] =	ssyncadd.s32 $0xFFFFD800  }
0x16: {  	[tilespmem:s13], [sflag:$0x1] =	stream.linear.gather [hbm4b:s3+s2], $0x2800, $0x38;
	[tilespmem:$0xA000] =	vst v63  }
0x17: {  	_ =	swait.ge [sflag:s11], $0x2800  }
0x18: {  	[sflag:s11] =	ssyncset.done $0x0  }
0x19: {  	[sflag:s11] =	ssyncadd.s32 $0xFFFFD800  }
0x1a: {  	[tilespmem:s14], [sflag:$0x1] =	stream.linear.gather [hbm4b:s3+s2], $0x2800, $0x38;
	[tilespmem:$0xA000] =	vst v63  }
0x1b: {  	_ =	swait.ge [sflag:s11], $0x2800  }
0x1c: {  	[sflag:s11] =	ssyncset.done $0x0  }
0x1d: {  	s16 =	simm.s32 $0x0;
	[sflag:s11] =	ssyncadd.s32 $0xFFFFD800  }
.LBB2_2:
0x1e: {  	s17 =	sshra.s32 s16, $0x2  }
0x1f: {  	v1 =	vld [tilespmem:s17+$0x0]  }
0x20: {  	v2 =	vld [tilespmem:s17+$0x2800];
	_ =	sdelay $0x6  }
0x21: {  	[tilespmem:v1+s13+$0x0] =	vst.idx.add.f32.msk $0xffff, v0  }
0x22: {  	[tilespmem:v2+s14+$0x0] =	vst.idx.add.f32.msk $0xffff, v0  }
0x23: {  	v1 =	vld [tilespmem:s17+$0x10]  }
0x24: {  	v2 =	vld [tilespmem:s17+$0x2810];
	_ =	sdelay $0x6  }
0x25: {  	[tilespmem:v1+s13+$0x0] =	vst.idx.add.f32.msk $0xffff, v0  }
0x26: {  	[tilespmem:v2+s14+$0x0] =	vst.idx.add.f32.msk $0xffff, v0  }
0x27: {  	v1 =	vld [tilespmem:s17+$0x20]  }
0x28: {  	v2 =	vld [tilespmem:s17+$0x2820];
	_ =	sdelay $0x6  }
0x29: {  	[tilespmem:v1+s13+$0x0] =	vst.idx.add.f32.msk $0xffff, v0  }
0x2a: {  	[tilespmem:v2+s14+$0x0] =	vst.idx.add.f32.msk $0xffff, v0  }
0x2b: {  	v1 =	vld [tilespmem:s17+$0x30]  }
0x2c: {  	v2 =	vld [tilespmem:s17+$0x2830];
	_ =	sdelay $0x2  }
0x2d: {  	p0 =	sne.s32 s16, $0x9F00  }
.Ltmp0:
0x2e: {  	_ = 	snop;
	(pc) =	sbr.rel @p0 .LBB2_2-.Ltmp0, $3  }
0x2f: {  	_ =	sdelay $0x1  }
0x30: {  	[tilespmem:v1+s13+$0x0] =	vst.idx.add.f32.msk $0xffff, v0  }
0x31: {  	s16 =	sadd.s32 $0x100, s16;
	[tilespmem:v2+s14+$0x0] =	vst.idx.add.f32.msk $0xffff, v0  }
0x32: {  	[hbm4b:s6+s9] =	stream.strided.scatter [tilespmem:s13], [sflag:$0x1], $0x2800, s10, s9, $0x38;
	[tilespmem:$0xA000] =	vst v63  }
0x33: {  	s15 =	sadd.s32 $0x1, s15;
	_ =	swait.ge [sflag:s11], $0x2800  }
0x34: {  	p0 =	sne.s32 s15, s8;
	[sflag:s11] =	ssyncset.done $0x0  }
.Ltmp1:
0x35: {  	[sflag:s11] =	ssyncadd.s32 $0xFFFFD800;
	(pc) =	sbr.rel @p0 .LBB2_1-.Ltmp1, $4  }
0x36: {  	[hbm4b:s7+s9] =	stream.strided.scatter [tilespmem:s14], [sflag:$0x1], $0x2800, s10, s9, $0x38;
	[tilespmem:$0xA000] =	vst v63  }
0x37: {  	_ =	swait.ge [sflag:s11], $0x2800  }
0x38: {  	[sflag:s11] =	ssyncset.done $0x0  }
0x39: {  	[sflag:s11] =	ssyncadd.s32 $0xFFFFD800  }
0x3a: {  	_ =	sfence.sel $0x180000  }
0x3b: {  	[bflag:$0x0] =	sbarrier.arrive $0xFFFF  }
0x3c: {  	p0 =	sne.s32 s0, $0x0;
	_ =	strace $0x90000047  }
0x3d: {  	s0 =	sadd.s32 @!p0 $0x100000, s1;
	[bflag:$0x2] =	sbarrier.arrive $0xFFFF  }
0x3e: {  	[sflag:s0] =	ssyncadd.tile.s32 @!p0 $0x1;
	_ =	shalt  }
.Lfunc_end2:
_tile_overlayer_lowered:
.L_overlay_start_2:
0x3f: {  	(tag) =	ssettag $0x2  }
0x40: {  	s0 =	rddreg [dreg:$0x0];
	s2 =	stileid.u32  }
0x41: {  	s1 =	rddreg [dreg:$0x1];
	p0 =	sne.s32 s2, $0x0  }
0x42: {  	s3 =	rddreg [dreg:$0x2];
	[bflag:$0x3] =	sbarrier.arrive $0xFFFF;
	s2 =	simm.s32 @!p0 $0x1C01  }
0x43: {  	[timem:s3], [sflag:s2] =	dma.local @!p0 [hbm:s0], s1  }
0x44: {  	s0 =	simm.s32 @!p0 $0x1  }
0x45: {  	_ =	swait.ge @!p0 [sflag:s0], s1  }
0x46: {  	s1 =	ssub.s32 @!p0 $0x0, s1;
	[sflag:s0] =	ssyncset.done @!p0 $0x0  }
0x47: {  	[sflag:s0] =	ssyncadd.s32 @!p0 s1  }
0x48: {  	[bflag:$0x3] =	sbarrier.arrive $0xFFFF  }
0x49: {  	_ =	shalt  }

</sc_bundles>
